<compile_context>
chip_gen: v7x
topology: tpu7x:2x2x1
jax: 0.10.2.dev20260603
libtpu: 0.0.44.dev20260713+nightly
codegen_flags: <defaults>
</compile_context>

<pallas_src>
import functools

import jax
import jax.numpy as jnp
from jax import lax
from jax.experimental import pallas as pl
from jax.experimental.pallas import tpu as pltpu
from jax.experimental.pallas import tpu_sc as plsc

_TOP_K = 2
_N_EXPERTS = 8
_BLK = 4096

_info = plsc.get_sparse_core_info()
_NC, _NS, _L = _info.num_cores, _info.num_subcores, _info.num_lanes
_NW = _NC * _NS


def _logits_body(x_ref, w_ref, out_ref):
    out_ref[...] = jax.lax.dot_general(
        w_ref[...], x_ref[...], (((1,), (1,)), ((), ())),
        preferred_element_type=jnp.float32,
    )


def _make_router(n):
    ntok = n // _NW
    ngrp = ntok // _L
    mesh = plsc.VectorSubcoreMesh(core_axis_name="c", subcore_axis_name="s")

    @functools.partial(
        pl.kernel,
        out_type=[
            jax.ShapeDtypeStruct((_TOP_K, n), jnp.int32),
            jax.ShapeDtypeStruct((_TOP_K, n), jnp.float32),
        ],
        mesh=mesh,
        scratch_types=[
            pltpu.VMEM((_N_EXPERTS, ntok), jnp.float32),
            pltpu.VMEM((_TOP_K, ntok), jnp.int32),
            pltpu.VMEM((_TOP_K, ntok), jnp.float32),
        ],
    )
    def route(logits_hbm, idx_hbm, tw_hbm, lg_v, idx_v, tw_v):
        wid = lax.axis_index("s") * _NC + lax.axis_index("c")
        base = wid * ntok
        for e in range(_N_EXPERTS):
            pltpu.sync_copy(logits_hbm.at[e, pl.ds(base, ntok)], lg_v.at[e])

        def body(g, carry):
            o = g * _L
            lv = [lg_v[e, pl.ds(o, _L)] for e in range(_N_EXPERTS)]
            l1 = lv[0]
            i1 = jnp.zeros((_L,), jnp.int32)
            for e in range(1, _N_EXPERTS):
                gt = lv[e] > l1
                l1 = jnp.where(gt, lv[e], l1)
                i1 = jnp.where(gt, jnp.int32(e), i1)
            l2 = jnp.full((_L,), -jnp.inf, jnp.float32)
            i2 = jnp.zeros((_L,), jnp.int32)
            for e in range(_N_EXPERTS):
                cand = jnp.where(i1 == jnp.int32(e), -jnp.inf, lv[e])
                gt = cand > l2
                l2 = jnp.where(gt, cand, l2)
                i2 = jnp.where(gt, jnp.int32(e), i2)
            denom = jnp.exp(lv[0] - l1)
            for e in range(1, _N_EXPERTS):
                denom = denom + jnp.exp(lv[e] - l1)
            idx_v[0, pl.ds(o, _L)] = i1
            idx_v[1, pl.ds(o, _L)] = i2
            tw_v[0, pl.ds(o, _L)] = jnp.float32(1.0) / denom
            tw_v[1, pl.ds(o, _L)] = jnp.exp(l2 - l1) / denom
            return carry

        lax.fori_loop(0, ngrp, body, 0)
        for r in range(_TOP_K):
            pltpu.sync_copy(idx_v.at[r], idx_hbm.at[r, pl.ds(base, ntok)])
            pltpu.sync_copy(tw_v.at[r], tw_hbm.at[r, pl.ds(base, ntok)])

    return route


@jax.jit
def kernel(hidden_states, weight):
    bsz, seq_len, h = hidden_states.shape
    n = bsz * seq_len
    x = hidden_states.reshape(n, h)
    grid = (n // _BLK,)
    logits = pl.pallas_call(
        _logits_body,
        grid=grid,
        in_specs=[
            pl.BlockSpec((_BLK, h), lambda i: (i, 0)),
            pl.BlockSpec((_N_EXPERTS, h), lambda i: (0, 0)),
        ],
        out_specs=pl.BlockSpec((_N_EXPERTS, _BLK), lambda i: (0, i)),
        out_shape=jax.ShapeDtypeStruct((_N_EXPERTS, n), jnp.float32),
    )(x, weight)
    idx_t, tw_t = _make_router(n)(logits)
    return idx_t.T, tw_t.T

# --- scband reference (transcript-rebuilt; emitter-appended) ---
"""Pipeline reference for scband-mo-egate-19361712570954 (READ-ONLY COPY).

The authoritative reference and input builder live on the scoring server;
editing this copy changes nothing except your own understanding.
"""

import jax, jax.numpy as jnp
import numpy as np

TOP_K = 2
N_EXPERTS = 8
EMBED_DIM = 768

def setup_inputs(seed: int = 0) -> dict:
    key = jax.random.key(seed)
    k1, k2 = jax.random.split(key)
    hidden_states = jax.random.normal(k1, (4, 8192, EMBED_DIM), dtype=jnp.float32)
    weight = jax.random.normal(k2, (N_EXPERTS, EMBED_DIM), dtype=jnp.float32) / (EMBED_DIM ** 0.5)
    return {"hidden_states": hidden_states, "weight": weight}

def reference(hidden_states, weight):
    # Faithful translation of MoEGate.forward in eval mode (aux_loss path disabled since
    # self.training is False in inference; norm_topk_prob=False and top_k=2>1, so no
    # top-k probability renormalization is applied).
    bsz, seq_len, h = hidden_states.shape
    x = hidden_states.reshape(-1, h)
    logits = x @ weight.T  # F.linear(x, weight, None)
    scores = jax.nn.softmax(logits, axis=-1)
    topk_weight, topk_idx = jax.lax.top_k(scores, TOP_K)
    return (topk_idx, topk_weight)

if __name__ == "__main__":
    import jax
    _d = setup_inputs()
    print(jax.jit(kernel)(*tuple(_d.values())))

</pallas_src>

<mosaic_0001>
#map = affine_map<(d0, d1) -> (0, 0)>
module attributes {stable_mosaic.version = 14 : i64} {
  func.func @route(%arg0: i32, %arg1: i32, %arg2: memref<8x32768xf32, #tpu.memory_space<hbm>>, %arg3: memref<2x32768xi32, #tpu.memory_space<hbm>>, %arg4: memref<2x32768xf32, #tpu.memory_space<hbm>>, %arg5: memref<8x1024xf32, #tpu.memory_space<vmem>>, %arg6: memref<2x1024xi32, #tpu.memory_space<vmem>>, %arg7: memref<2x1024xf32, #tpu.memory_space<vmem>>) attributes {dimension_semantics = [#tpu.dimension_semantics<core_parallel>, #tpu.dimension_semantics<subcore_parallel>], iteration_bounds = array<i64: 2, 16>, scalar_prefetch = 0 : i64, scratch_operands = 3 : i64, tpu.core_type = #tpu.core_type<sc_vector_subcore>, window_params = [{transform_indices = #map}, {transform_indices = #map}, {transform_indices = #map}]} {
    %mul3A = arith.constant 2 : i32
    %mul3A_0 = arith.muli %arg1, %mul3A : i32
    %add3A = arith.addi %mul3A_0, %arg0 : i32
    %mul3A_1 = arith.constant 1024 : i32
    %mul3A_2 = arith.muli %add3A, %mul3A_1 : i32
    %run_scoped3A = arith.constant 0 : i32
    %run_scoped3A_3 = arith.constant 0 : i32
    "tpu.region"() ({
      %run_scoped3A_31 = tpu.sem_alloc : memref<!tpu.dma_semaphore, #tpu.memory_space<semaphore_mem>>
      %dma_start3A = arith.constant 0 : i32
      %dma_start3A_32 = tpu.memref_slice %arg5[%run_scoped3A_3, %dma_start3A] : memref<8x1024xf32, #tpu.memory_space<vmem>> -> memref<1x1024xf32, #tpu.memory_space<vmem>>
      %dma_start3A_33 = tpu.memref_squeeze %dma_start3A_32 : memref<1x1024xf32, #tpu.memory_space<vmem>> -> memref<1024xf32, #tpu.memory_space<vmem>>
      %dma_start3A_34 = tpu.memref_slice %arg2[%run_scoped3A, %mul3A_2] : memref<8x32768xf32, #tpu.memory_space<hbm>> -> memref<1x1024xf32, #tpu.memory_space<hbm>>
      %dma_start3A_35 = tpu.memref_squeeze %dma_start3A_34 : memref<1x1024xf32, #tpu.memory_space<hbm>> -> memref<1024xf32, #tpu.memory_space<hbm>>
      %dma_start3A_36 = arith.constant 0 : i32
      %dma_start3A_37 = tpu.memref_slice %arg5[%run_scoped3A_3, %dma_start3A_36] : memref<8x1024xf32, #tpu.memory_space<vmem>> -> memref<1x1024xf32, #tpu.memory_space<vmem>>
      %dma_start3A_38 = tpu.memref_squeeze %dma_start3A_37 : memref<1x1024xf32, #tpu.memory_space<vmem>> -> memref<1024xf32, #tpu.memory_space<vmem>>
      %dma_start3A_39 = tpu.memref_slice %arg2[%run_scoped3A, %mul3A_2] : memref<8x32768xf32, #tpu.memory_space<hbm>> -> memref<1x1024xf32, #tpu.memory_space<hbm>>
      %dma_start3A_40 = tpu.memref_squeeze %dma_start3A_39 : memref<1x1024xf32, #tpu.memory_space<hbm>> -> memref<1024xf32, #tpu.memory_space<hbm>>
      tpu.enqueue_dma source(%dma_start3A_40 : memref<1024xf32, #tpu.memory_space<hbm>>) target(%dma_start3A_38 : memref<1024xf32, #tpu.memory_space<vmem>>) target_semaphore(%run_scoped3A_31 : memref<!tpu.dma_semaphore, #tpu.memory_space<semaphore_mem>>)
      %dma_wait3A = arith.constant 0 : i32
      %dma_wait3A_41 = tpu.memref_slice %arg5[%run_scoped3A_3, %dma_wait3A] : memref<8x1024xf32, #tpu.memory_space<vmem>> -> memref<1x1024xf32, #tpu.memory_space<vmem>>
      %dma_wait3A_42 = tpu.memref_squeeze %dma_wait3A_41 : memref<1x1024xf32, #tpu.memory_space<vmem>> -> memref<1024xf32, #tpu.memory_space<vmem>>
      %dma_wait3A_43 = tpu.memref_slice %arg2[%run_scoped3A, %mul3A_2] : memref<8x32768xf32, #tpu.memory_space<hbm>> -> memref<1x1024xf32, #tpu.memory_space<hbm>>
      %dma_wait3A_44 = tpu.memref_squeeze %dma_wait3A_43 : memref<1x1024xf32, #tpu.memory_space<hbm>> -> memref<1024xf32, #tpu.memory_space<hbm>>
      %dma_wait3A_45 = arith.constant 0 : i32
      %dma_wait3A_46 = tpu.memref_slice %arg5[%run_scoped3A_3, %dma_wait3A_45] : memref<8x1024xf32, #tpu.memory_space<vmem>> -> memref<1x1024xf32, #tpu.memory_space<vmem>>
      %dma_wait3A_47 = tpu.memref_squeeze %dma_wait3A_46 : memref<1x1024xf32, #tpu.memory_space<vmem>> -> memref<1024xf32, #tpu.memory_space<vmem>>
      %dma_wait3A_48 = tpu.memref_slice %arg2[%run_scoped3A, %mul3A_2] : memref<8x32768xf32, #tpu.memory_space<hbm>> -> memref<1x1024xf32, #tpu.memory_space<hbm>>
      %dma_wait3A_49 = tpu.memref_squeeze %dma_wait3A_48 : memref<1x1024xf32, #tpu.memory_space<hbm>> -> memref<1024xf32, #tpu.memory_space<hbm>>
      tpu.wait_dma2 semaphore(%run_scoped3A_31 : memref<!tpu.dma_semaphore, #tpu.memory_space<semaphore_mem>>) src(%dma_wait3A_49 : memref<1024xf32, #tpu.memory_space<hbm>>) dst(%dma_wait3A_47 : memref<1024xf32, #tpu.memory_space<vmem>>)
      tpu.yield
    }) : () -> ()
    %run_scoped3A_4 = arith.constant 1 : i32
    %run_scoped3A_5 = arith.constant 1 : i32
    "tpu.region"() ({
      %run_scoped3A_31 = tpu.sem_alloc : memref<!tpu.dma_semaphore, #tpu.memory_space<semaphore_mem>>
      %dma_start3A = arith.constant 0 : i32
      %dma_start3A_32 = tpu.memref_slice %arg5[%run_scoped3A_5, %dma_start3A] : memref<8x1024xf32, #tpu.memory_space<vmem>> -> memref<1x1024xf32, #tpu.memory_space<vmem>>
      %dma_start3A_33 = tpu.memref_squeeze %dma_start3A_32 : memref<1x1024xf32, #tpu.memory_space<vmem>> -> memref<1024xf32, #tpu.memory_space<vmem>>
      %dma_start3A_34 = tpu.memref_slice %arg2[%run_scoped3A_4, %mul3A_2] : memref<8x32768xf32, #tpu.memory_space<hbm>> -> memref<1x1024xf32, #tpu.memory_space<hbm>>
      %dma_start3A_35 = tpu.memref_squeeze %dma_start3A_34 : memref<1x1024xf32, #tpu.memory_space<hbm>> -> memref<1024xf32, #tpu.memory_space<hbm>>
      %dma_start3A_36 = arith.constant 0 : i32
      %dma_start3A_37 = tpu.memref_slice %arg5[%run_scoped3A_5, %dma_start3A_36] : memref<8x1024xf32, #tpu.memory_space<vmem>> -> memref<1x1024xf32, #tpu.memory_space<vmem>>
      %dma_start3A_38 = tpu.memref_squeeze %dma_start3A_37 : memref<1x1024xf32, #tpu.memory_space<vmem>> -> memref<1024xf32, #tpu.memory_space<vmem>>
      %dma_start3A_39 = tpu.memref_slice %arg2[%run_scoped3A_4, %mul3A_2] : memref<8x32768xf32, #tpu.memory_space<hbm>> -> memref<1x1024xf32, #tpu.memory_space<hbm>>
      %dma_start3A_40 = tpu.memref_squeeze %dma_start3A_39 : memref<1x1024xf32, #tpu.memory_space<hbm>> -> memref<1024xf32, #tpu.memory_space<hbm>>
      tpu.enqueue_dma source(%dma_start3A_40 : memref<1024xf32, #tpu.memory_space<hbm>>) target(%dma_start3A_38 : memref<1024xf32, #tpu.memory_space<vmem>>) target_semaphore(%run_scoped3A_31 : memref<!tpu.dma_semaphore, #tpu.memory_space<semaphore_mem>>)
      %dma_wait3A = arith.constant 0 : i32
      %dma_wait3A_41 = tpu.memref_slice %arg5[%run_scoped3A_5, %dma_wait3A] : memref<8x1024xf32, #tpu.memory_space<vmem>> -> memref<1x1024xf32, #tpu.memory_space<vmem>>
      %dma_wait3A_42 = tpu.memref_squeeze %dma_wait3A_41 : memref<1x1024xf32, #tpu.memory_space<vmem>> -> memref<1024xf32, #tpu.memory_space<vmem>>
      %dma_wait3A_43 = tpu.memref_slice %arg2[%run_scoped3A_4, %mul3A_2] : memref<8x32768xf32, #tpu.memory_space<hbm>> -> memref<1x1024xf32, #tpu.memory_space<hbm>>
      %dma_wait3A_44 = tpu.memref_squeeze %dma_wait3A_43 : memref<1x1024xf32, #tpu.memory_space<hbm>> -> memref<1024xf32, #tpu.memory_space<hbm>>
      %dma_wait3A_45 = arith.constant 0 : i32
      %dma_wait3A_46 = tpu.memref_slice %arg5[%run_scoped3A_5, %dma_wait3A_45] : memref<8x1024xf32, #tpu.memory_space<vmem>> -> memref<1x1024xf32, #tpu.memory_space<vmem>>
      %dma_wait3A_47 = tpu.memref_squeeze %dma_wait3A_46 : memref<1x1024xf32, #tpu.memory_space<vmem>> -> memref<1024xf32, #tpu.memory_space<vmem>>
      %dma_wait3A_48 = tpu.memref_slice %arg2[%run_scoped3A_4, %mul3A_2] : memref<8x32768xf32, #tpu.memory_space<hbm>> -> memref<1x1024xf32, #tpu.memory_space<hbm>>
      %dma_wait3A_49 = tpu.memref_squeeze %dma_wait3A_48 : memref<1x1024xf32, #tpu.memory_space<hbm>> -> memref<1024xf32, #tpu.memory_space<hbm>>
      tpu.wait_dma2 semaphore(%run_scoped3A_31 : memref<!tpu.dma_semaphore, #tpu.memory_space<semaphore_mem>>) src(%dma_wait3A_49 : memref<1024xf32, #tpu.memory_space<hbm>>) dst(%dma_wait3A_47 : memref<1024xf32, #tpu.memory_space<vmem>>)
      tpu.yield
    }) : () -> ()
    %run_scoped3A_6 = arith.constant 2 : i32
    %run_scoped3A_7 = arith.constant 2 : i32
    "tpu.region"() ({
      %run_scoped3A_31 = tpu.sem_alloc : memref<!tpu.dma_semaphore, #tpu.memory_space<semaphore_mem>>
      %dma_start3A = arith.constant 0 : i32
      %dma_start3A_32 = tpu.memref_slice %arg5[%run_scoped3A_7, %dma_start3A] : memref<8x1024xf32, #tpu.memory_space<vmem>> -> memref<1x1024xf32, #tpu.memory_space<vmem>>
      %dma_start3A_33 = tpu.memref_squeeze %dma_start3A_32 : memref<1x1024xf32, #tpu.memory_space<vmem>> -> memref<1024xf32, #tpu.memory_space<vmem>>
      %dma_start3A_34 = tpu.memref_slice %arg2[%run_scoped3A_6, %mul3A_2] : memref<8x32768xf32, #tpu.memory_space<hbm>> -> memref<1x1024xf32, #tpu.memory_space<hbm>>
      %dma_start3A_35 = tpu.memref_squeeze %dma_start3A_34 : memref<1x1024xf32, #tpu.memory_space<hbm>> -> memref<1024xf32, #tpu.memory_space<hbm>>
      %dma_start3A_36 = arith.constant 0 : i32
      %dma_start3A_37 = tpu.memref_slice %arg5[%run_scoped3A_7, %dma_start3A_36] : memref<8x1024xf32, #tpu.memory_space<vmem>> -> memref<1x1024xf32, #tpu.memory_space<vmem>>
      %dma_start3A_38 = tpu.memref_squeeze %dma_start3A_37 : memref<1x1024xf32, #tpu.memory_space<vmem>> -> memref<1024xf32, #tpu.memory_space<vmem>>
      %dma_start3A_39 = tpu.memref_slice %arg2[%run_scoped3A_6, %mul3A_2] : memref<8x32768xf32, #tpu.memory_space<hbm>> -> memref<1x1024xf32, #tpu.memory_space<hbm>>
      %dma_start3A_40 = tpu.memref_squeeze %dma_start3A_39 : memref<1x1024xf32, #tpu.memory_space<hbm>> -> memref<1024xf32, #tpu.memory_space<hbm>>
      tpu.enqueue_dma source(%dma_start3A_40 : memref<1024xf32, #tpu.memory_space<hbm>>) target(%dma_start3A_38 : memref<1024xf32, #tpu.memory_space<vmem>>) target_semaphore(%run_scoped3A_31 : memref<!tpu.dma_semaphore, #tpu.memory_space<semaphore_mem>>)
      %dma_wait3A = arith.constant 0 : i32
      %dma_wait3A_41 = tpu.memref_slice %arg5[%run_scoped3A_7, %dma_wait3A] : memref<8x1024xf32, #tpu.memory_space<vmem>> -> memref<1x1024xf32, #tpu.memory_space<vmem>>
      %dma_wait3A_42 = tpu.memref_squeeze %dma_wait3A_41 : memref<1x1024xf32, #tpu.memory_space<vmem>> -> memref<1024xf32, #tpu.memory_space<vmem>>
      %dma_wait3A_43 = tpu.memref_slice %arg2[%run_scoped3A_6, %mul3A_2] : memref<8x32768xf32, #tpu.memory_space<hbm>> -> memref<1x1024xf32, #tpu.memory_space<hbm>>
      %dma_wait3A_44 = tpu.memref_squeeze %dma_wait3A_43 : memref<1x1024xf32, #tpu.memory_space<hbm>> -> memref<1024xf32, #tpu.memory_space<hbm>>
      %dma_wait3A_45 = arith.constant 0 : i32
      %dma_wait3A_46 = tpu.memref_slice %arg5[%run_scoped3A_7, %dma_wait3A_45] : memref<8x1024xf32, #tpu.memory_space<vmem>> -> memref<1x1024xf32, #tpu.memory_space<vmem>>
      %dma_wait3A_47 = tpu.memref_squeeze %dma_wait3A_46 : memref<1x1024xf32, #tpu.memory_space<vmem>> -> memref<1024xf32, #tpu.memory_space<vmem>>
      %dma_wait3A_48 = tpu.memref_slice %arg2[%run_scoped3A_6, %mul3A_2] : memref<8x32768xf32, #tpu.memory_space<hbm>> -> memref<1x1024xf32, #tpu.memory_space<hbm>>
      %dma_wait3A_49 = tpu.memref_squeeze %dma_wait3A_48 : memref<1x1024xf32, #tpu.memory_space<hbm>> -> memref<1024xf32, #tpu.memory_space<hbm>>
      tpu.wait_dma2 semaphore(%run_scoped3A_31 : memref<!tpu.dma_semaphore, #tpu.memory_space<semaphore_mem>>) src(%dma_wait3A_49 : memref<1024xf32, #tpu.memory_space<hbm>>) dst(%dma_wait3A_47 : memref<1024xf32, #tpu.memory_space<vmem>>)
      tpu.yield
    }) : () -> ()
    %run_scoped3A_8 = arith.constant 3 : i32
    %run_scoped3A_9 = arith.constant 3 : i32
    "tpu.region"() ({
      %run_scoped3A_31 = tpu.sem_alloc : memref<!tpu.dma_semaphore, #tpu.memory_space<semaphore_mem>>
      %dma_start3A = arith.constant 0 : i32
      %dma_start3A_32 = tpu.memref_slice %arg5[%run_scoped3A_9, %dma_start3A] : memref<8x1024xf32, #tpu.memory_space<vmem>> -> memref<1x1024xf32, #tpu.memory_space<vmem>>
      %dma_start3A_33 = tpu.memref_squeeze %dma_start3A_32 : memref<1x1024xf32, #tpu.memory_space<vmem>> -> memref<1024xf32, #tpu.memory_space<vmem>>
      %dma_start3A_34 = tpu.memref_slice %arg2[%run_scoped3A_8, %mul3A_2] : memref<8x32768xf32, #tpu.memory_space<hbm>> -> memref<1x1024xf32, #tpu.memory_space<hbm>>
      %dma_start3A_35 = tpu.memref_squeeze %dma_start3A_34 : memref<1x1024xf32, #tpu.memory_space<hbm>> -> memref<1024xf32, #tpu.memory_space<hbm>>
      %dma_start3A_36 = arith.constant 0 : i32
      %dma_start3A_37 = tpu.memref_slice %arg5[%run_scoped3A_9, %dma_start3A_36] : memref<8x1024xf32, #tpu.memory_space<vmem>> -> memref<1x1024xf32, #tpu.memory_space<vmem>>
      %dma_start3A_38 = tpu.memref_squeeze %dma_start3A_37 : memref<1x1024xf32, #tpu.memory_space<vmem>> -> memref<1024xf32, #tpu.memory_space<vmem>>
      %dma_start3A_39 = tpu.memref_slice %arg2[%run_scoped3A_8, %mul3A_2] : memref<8x32768xf32, #tpu.memory_space<hbm>> -> memref<1x1024xf32, #tpu.memory_space<hbm>>
      %dma_start3A_40 = tpu.memref_squeeze %dma_start3A_39 : memref<1x1024xf32, #tpu.memory_space<hbm>> -> memref<1024xf32, #tpu.memory_space<hbm>>
      tpu.enqueue_dma source(%dma_start3A_40 : memref<1024xf32, #tpu.memory_space<hbm>>) target(%dma_start3A_38 : memref<1024xf32, #tpu.memory_space<vmem>>) target_semaphore(%run_scoped3A_31 : memref<!tpu.dma_semaphore, #tpu.memory_space<semaphore_mem>>)
      %dma_wait3A = arith.constant 0 : i32
      %dma_wait3A_41 = tpu.memref_slice %arg5[%run_scoped3A_9, %dma_wait3A] : memref<8x1024xf32, #tpu.memory_space<vmem>> -> memref<1x1024xf32, #tpu.memory_space<vmem>>
      %dma_wait3A_42 = tpu.memref_squeeze %dma_wait3A_41 : memref<1x1024xf32, #tpu.memory_space<vmem>> -> memref<1024xf32, #tpu.memory_space<vmem>>
      %dma_wait3A_43 = tpu.memref_slice %arg2[%run_scoped3A_8, %mul3A_2] : memref<8x32768xf32, #tpu.memory_space<hbm>> -> memref<1x1024xf32, #tpu.memory_space<hbm>>
      %dma_wait3A_44 = tpu.memref_squeeze %dma_wait3A_43 : memref<1x1024xf32, #tpu.memory_space<hbm>> -> memref<1024xf32, #tpu.memory_space<hbm>>
      %dma_wait3A_45 = arith.constant 0 : i32
      %dma_wait3A_46 = tpu.memref_slice %arg5[%run_scoped3A_9, %dma_wait3A_45] : memref<8x1024xf32, #tpu.memory_space<vmem>> -> memref<1x1024xf32, #tpu.memory_space<vmem>>
      %dma_wait3A_47 = tpu.memref_squeeze %dma_wait3A_46 : memref<1x1024xf32, #tpu.memory_space<vmem>> -> memref<1024xf32, #tpu.memory_space<vmem>>
      %dma_wait3A_48 = tpu.memref_slice %arg2[%run_scoped3A_8, %mul3A_2] : memref<8x32768xf32, #tpu.memory_space<hbm>> -> memref<1x1024xf32, #tpu.memory_space<hbm>>
      %dma_wait3A_49 = tpu.memref_squeeze %dma_wait3A_48 : memref<1x1024xf32, #tpu.memory_space<hbm>> -> memref<1024xf32, #tpu.memory_space<hbm>>
      tpu.wait_dma2 semaphore(%run_scoped3A_31 : memref<!tpu.dma_semaphore, #tpu.memory_space<semaphore_mem>>) src(%dma_wait3A_49 : memref<1024xf32, #tpu.memory_space<hbm>>) dst(%dma_wait3A_47 : memref<1024xf32, #tpu.memory_space<vmem>>)
      tpu.yield
    }) : () -> ()
    %run_scoped3A_10 = arith.constant 4 : i32
    %run_scoped3A_11 = arith.constant 4 : i32
    "tpu.region"() ({
      %run_scoped3A_31 = tpu.sem_alloc : memref<!tpu.dma_semaphore, #tpu.memory_space<semaphore_mem>>
      %dma_start3A = arith.constant 0 : i32
      %dma_start3A_32 = tpu.memref_slice %arg5[%run_scoped3A_11, %dma_start3A] : memref<8x1024xf32, #tpu.memory_space<vmem>> -> memref<1x1024xf32, #tpu.memory_space<vmem>>
      %dma_start3A_33 = tpu.memref_squeeze %dma_start3A_32 : memref<1x1024xf32, #tpu.memory_space<vmem>> -> memref<1024xf32, #tpu.memory_space<vmem>>
      %dma_start3A_34 = tpu.memref_slice %arg2[%run_scoped3A_10, %mul3A_2] : memref<8x32768xf32, #tpu.memory_space<hbm>> -> memref<1x1024xf32, #tpu.memory_space<hbm>>
      %dma_start3A_35 = tpu.memref_squeeze %dma_start3A_34 : memref<1x1024xf32, #tpu.memory_space<hbm>> -> memref<1024xf32, #tpu.memory_space<hbm>>
      %dma_start3A_36 = arith.constant 0 : i32
      %dma_start3A_37 = tpu.memref_slice %arg5[%run_scoped3A_11, %dma_start3A_36] : memref<8x1024xf32, #tpu.memory_space<vmem>> -> memref<1x1024xf32, #tpu.memory_space<vmem>>
      %dma_start3A_38 = tpu.memref_squeeze %dma_start3A_37 : memref<1x1024xf32, #tpu.memory_space<vmem>> -> memref<1024xf32, #tpu.memory_space<vmem>>
      %dma_start3A_39 = tpu.memref_slice %arg2[%run_scoped3A_10, %mul3A_2] : memref<8x32768xf32, #tpu.memory_space<hbm>> -> memref<1x1024xf32, #tpu.memory_space<hbm>>
      %dma_start3A_40 = tpu.memref_squeeze %dma_start3A_39 : memref<1x1024xf32, #tpu.memory_space<hbm>> -> memref<1024xf32, #tpu.memory_space<hbm>>
      tpu.enqueue_dma source(%dma_start3A_40 : memref<1024xf32, #tpu.memory_space<hbm>>) target(%dma_start3A_38 : memref<1024xf32, #tpu.memory_space<vmem>>) target_semaphore(%run_scoped3A_31 : memref<!tpu.dma_semaphore, #tpu.memory_space<semaphore_mem>>)
      %dma_wait3A = arith.constant 0 : i32
      %dma_wait3A_41 = tpu.memref_slice %arg5[%run_scoped3A_11, %dma_wait3A] : memref<8x1024xf32, #tpu.memory_space<vmem>> -> memref<1x1024xf32, #tpu.memory_space<vmem>>
      %dma_wait3A_42 = tpu.memref_squeeze %dma_wait3A_41 : memref<1x1024xf32, #tpu.memory_space<vmem>> -> memref<1024xf32, #tpu.memory_space<vmem>>
      %dma_wait3A_43 = tpu.memref_slice %arg2[%run_scoped3A_10, %mul3A_2] : memref<8x32768xf32, #tpu.memory_space<hbm>> -> memref<1x1024xf32, #tpu.memory_space<hbm>>
      %dma_wait3A_44 = tpu.memref_squeeze %dma_wait3A_43 : memref<1x1024xf32, #tpu.memory_space<hbm>> -> memref<1024xf32, #tpu.memory_space<hbm>>
      %dma_wait3A_45 = arith.constant 0 : i32
      %dma_wait3A_46 = tpu.memref_slice %arg5[%run_scoped3A_11, %dma_wait3A_45] : memref<8x1024xf32, #tpu.memory_space<vmem>> -> memref<1x1024xf32, #tpu.memory_space<vmem>>
      %dma_wait3A_47 = tpu.memref_squeeze %dma_wait3A_46 : memref<1x1024xf32, #tpu.memory_space<vmem>> -> memref<1024xf32, #tpu.memory_space<vmem>>
      %dma_wait3A_48 = tpu.memref_slice %arg2[%run_scoped3A_10, %mul3A_2] : memref<8x32768xf32, #tpu.memory_space<hbm>> -> memref<1x1024xf32, #tpu.memory_space<hbm>>
      %dma_wait3A_49 = tpu.memref_squeeze %dma_wait3A_48 : memref<1x1024xf32, #tpu.memory_space<hbm>> -> memref<1024xf32, #tpu.memory_space<hbm>>
      tpu.wait_dma2 semaphore(%run_scoped3A_31 : memref<!tpu.dma_semaphore, #tpu.memory_space<semaphore_mem>>) src(%dma_wait3A_49 : memref<1024xf32, #tpu.memory_space<hbm>>) dst(%dma_wait3A_47 : memref<1024xf32, #tpu.memory_space<vmem>>)
      tpu.yield
    }) : () -> ()
    %run_scoped3A_12 = arith.constant 5 : i32
    %run_scoped3A_13 = arith.constant 5 : i32
    "tpu.region"() ({
      %run_scoped3A_31 = tpu.sem_alloc : memref<!tpu.dma_semaphore, #tpu.memory_space<semaphore_mem>>
      %dma_start3A = arith.constant 0 : i32
      %dma_start3A_32 = tpu.memref_slice %arg5[%run_scoped3A_13, %dma_start3A] : memref<8x1024xf32, #tpu.memory_space<vmem>> -> memref<1x1024xf32, #tpu.memory_space<vmem>>
      %dma_start3A_33 = tpu.memref_squeeze %dma_start3A_32 : memref<1x1024xf32, #tpu.memory_space<vmem>> -> memref<1024xf32, #tpu.memory_space<vmem>>
      %dma_start3A_34 = tpu.memref_slice %arg2[%run_scoped3A_12, %mul3A_2] : memref<8x32768xf32, #tpu.memory_space<hbm>> -> memref<1x1024xf32, #tpu.memory_space<hbm>>
      %dma_start3A_35 = tpu.memref_squeeze %dma_start3A_34 : memref<1x1024xf32, #tpu.memory_space<hbm>> -> memref<1024xf32, #tpu.memory_space<hbm>>
      %dma_start3A_36 = arith.constant 0 : i32
      %dma_start3A_37 = tpu.memref_slice %arg5[%run_scoped3A_13, %dma_start3A_36] : memref<8x1024xf32, #tpu.memory_space<vmem>> -> memref<1x1024xf32, #tpu.memory_space<vmem>>
      %dma_start3A_38 = tpu.memref_squeeze %dma_start3A_37 : memref<1x1024xf32, #tpu.memory_space<vmem>> -> memref<1024xf32, #tpu.memory_space<vmem>>
      %dma_start3A_39 = tpu.memref_slice %arg2[%run_scoped3A_12, %mul3A_2] : memref<8x32768xf32, #tpu.memory_space<hbm>> -> memref<1x1024xf32, #tpu.memory_space<hbm>>
      %dma_start3A_40 = tpu.memref_squeeze %dma_start3A_39 : memref<1x1024xf32, #tpu.memory_space<hbm>> -> memref<1024xf32, #tpu.memory_space<hbm>>
      tpu.enqueue_dma source(%dma_start3A_40 : memref<1024xf32, #tpu.memory_space<hbm>>) target(%dma_start3A_38 : memref<1024xf32, #tpu.memory_space<vmem>>) target_semaphore(%run_scoped3A_31 : memref<!tpu.dma_semaphore, #tpu.memory_space<semaphore_mem>>)
      %dma_wait3A = arith.constant 0 : i32
      %dma_wait3A_41 = tpu.memref_slice %arg5[%run_scoped3A_13, %dma_wait3A] : memref<8x1024xf32, #tpu.memory_space<vmem>> -> memref<1x1024xf32, #tpu.memory_space<vmem>>
      %dma_wait3A_42 = tpu.memref_squeeze %dma_wait3A_41 : memref<1x1024xf32, #tpu.memory_space<vmem>> -> memref<1024xf32, #tpu.memory_space<vmem>>
      %dma_wait3A_43 = tpu.memref_slice %arg2[%run_scoped3A_12, %mul3A_2] : memref<8x32768xf32, #tpu.memory_space<hbm>> -> memref<1x1024xf32, #tpu.memory_space<hbm>>
      %dma_wait3A_44 = tpu.memref_squeeze %dma_wait3A_43 : memref<1x1024xf32, #tpu.memory_space<hbm>> -> memref<1024xf32, #tpu.memory_space<hbm>>
      %dma_wait3A_45 = arith.constant 0 : i32
      %dma_wait3A_46 = tpu.memref_slice %arg5[%run_scoped3A_13, %dma_wait3A_45] : memref<8x1024xf32, #tpu.memory_space<vmem>> -> memref<1x1024xf32, #tpu.memory_space<vmem>>
      %dma_wait3A_47 = tpu.memref_squeeze %dma_wait3A_46 : memref<1x1024xf32, #tpu.memory_space<vmem>> -> memref<1024xf32, #tpu.memory_space<vmem>>
      %dma_wait3A_48 = tpu.memref_slice %arg2[%run_scoped3A_12, %mul3A_2] : memref<8x32768xf32, #tpu.memory_space<hbm>> -> memref<1x1024xf32, #tpu.memory_space<hbm>>
      %dma_wait3A_49 = tpu.memref_squeeze %dma_wait3A_48 : memref<1x1024xf32, #tpu.memory_space<hbm>> -> memref<1024xf32, #tpu.memory_space<hbm>>
      tpu.wait_dma2 semaphore(%run_scoped3A_31 : memref<!tpu.dma_semaphore, #tpu.memory_space<semaphore_mem>>) src(%dma_wait3A_49 : memref<1024xf32, #tpu.memory_space<hbm>>) dst(%dma_wait3A_47 : memref<1024xf32, #tpu.memory_space<vmem>>)
      tpu.yield
    }) : () -> ()
    %run_scoped3A_14 = arith.constant 6 : i32
    %run_scoped3A_15 = arith.constant 6 : i32
    "tpu.region"() ({
      %run_scoped3A_31 = tpu.sem_alloc : memref<!tpu.dma_semaphore, #tpu.memory_space<semaphore_mem>>
      %dma_start3A = arith.constant 0 : i32
      %dma_start3A_32 = tpu.memref_slice %arg5[%run_scoped3A_15, %dma_start3A] : memref<8x1024xf32, #tpu.memory_space<vmem>> -> memref<1x1024xf32, #tpu.memory_space<vmem>>
      %dma_start3A_33 = tpu.memref_squeeze %dma_start3A_32 : memref<1x1024xf32, #tpu.memory_space<vmem>> -> memref<1024xf32, #tpu.memory_space<vmem>>
      %dma_start3A_34 = tpu.memref_slice %arg2[%run_scoped3A_14, %mul3A_2] : memref<8x32768xf32, #tpu.memory_space<hbm>> -> memref<1x1024xf32, #tpu.memory_space<hbm>>
      %dma_start3A_35 = tpu.memref_squeeze %dma_start3A_34 : memref<1x1024xf32, #tpu.memory_space<hbm>> -> memref<1024xf32, #tpu.memory_space<hbm>>
      %dma_start3A_36 = arith.constant 0 : i32
      %dma_start3A_37 = tpu.memref_slice %arg5[%run_scoped3A_15, %dma_start3A_36] : memref<8x1024xf32, #tpu.memory_space<vmem>> -> memref<1x1024xf32, #tpu.memory_space<vmem>>
      %dma_start3A_38 = tpu.memref_squeeze %dma_start3A_37 : memref<1x1024xf32, #tpu.memory_space<vmem>> -> memref<1024xf32, #tpu.memory_space<vmem>>
      %dma_start3A_39 = tpu.memref_slice %arg2[%run_scoped3A_14, %mul3A_2] : memref<8x32768xf32, #tpu.memory_space<hbm>> -> memref<1x1024xf32, #tpu.memory_space<hbm>>
      %dma_start3A_40 = tpu.memref_squeeze %dma_start3A_39 : memref<1x1024xf32, #tpu.memory_space<hbm>> -> memref<1024xf32, #tpu.memory_space<hbm>>
      tpu.enqueue_dma source(%dma_start3A_40 : memref<1024xf32, #tpu.memory_space<hbm>>) target(%dma_start3A_38 : memref<1024xf32, #tpu.memory_space<vmem>>) target_semaphore(%run_scoped3A_31 : memref<!tpu.dma_semaphore, #tpu.memory_space<semaphore_mem>>)
      %dma_wait3A = arith.constant 0 : i32
      %dma_wait3A_41 = tpu.memref_slice %arg5[%run_scoped3A_15, %dma_wait3A] : memref<8x1024xf32, #tpu.memory_space<vmem>> -> memref<1x1024xf32, #tpu.memory_space<vmem>>
      %dma_wait3A_42 = tpu.memref_squeeze %dma_wait3A_41 : memref<1x1024xf32, #tpu.memory_space<vmem>> -> memref<1024xf32, #tpu.memory_space<vmem>>
      %dma_wait3A_43 = tpu.memref_slice %arg2[%run_scoped3A_14, %mul3A_2] : memref<8x32768xf32, #tpu.memory_space<hbm>> -> memref<1x1024xf32, #tpu.memory_space<hbm>>
      %dma_wait3A_44 = tpu.memref_squeeze %dma_wait3A_43 : memref<1x1024xf32, #tpu.memory_space<hbm>> -> memref<1024xf32, #tpu.memory_space<hbm>>
      %dma_wait3A_45 = arith.constant 0 : i32
      %dma_wait3A_46 = tpu.memref_slice %arg5[%run_scoped3A_15, %dma_wait3A_45] : memref<8x1024xf32, #tpu.memory_space<vmem>> -> memref<1x1024xf32, #tpu.memory_space<vmem>>
      %dma_wait3A_47 = tpu.memref_squeeze %dma_wait3A_46 : memref<1x1024xf32, #tpu.memory_space<vmem>> -> memref<1024xf32, #tpu.memory_space<vmem>>
      %dma_wait3A_48 = tpu.memref_slice %arg2[%run_scoped3A_14, %mul3A_2] : memref<8x32768xf32, #tpu.memory_space<hbm>> -> memref<1x1024xf32, #tpu.memory_space<hbm>>
      %dma_wait3A_49 = tpu.memref_squeeze %dma_wait3A_48 : memref<1x1024xf32, #tpu.memory_space<hbm>> -> memref<1024xf32, #tpu.memory_space<hbm>>
      tpu.wait_dma2 semaphore(%run_scoped3A_31 : memref<!tpu.dma_semaphore, #tpu.memory_space<semaphore_mem>>) src(%dma_wait3A_49 : memref<1024xf32, #tpu.memory_space<hbm>>) dst(%dma_wait3A_47 : memref<1024xf32, #tpu.memory_space<vmem>>)
      tpu.yield
    }) : () -> ()
    %run_scoped3A_16 = arith.constant 7 : i32
    %run_scoped3A_17 = arith.constant 7 : i32
    "tpu.region"() ({
      %run_scoped3A_31 = tpu.sem_alloc : memref<!tpu.dma_semaphore, #tpu.memory_space<semaphore_mem>>
      %dma_start3A = arith.constant 0 : i32
      %dma_start3A_32 = tpu.memref_slice %arg5[%run_scoped3A_17, %dma_start3A] : memref<8x1024xf32, #tpu.memory_space<vmem>> -> memref<1x1024xf32, #tpu.memory_space<vmem>>
      %dma_start3A_33 = tpu.memref_squeeze %dma_start3A_32 : memref<1x1024xf32, #tpu.memory_space<vmem>> -> memref<1024xf32, #tpu.memory_space<vmem>>
      %dma_start3A_34 = tpu.memref_slice %arg2[%run_scoped3A_16, %mul3A_2] : memref<8x32768xf32, #tpu.memory_space<hbm>> -> memref<1x1024xf32, #tpu.memory_space<hbm>>
      %dma_start3A_35 = tpu.memref_squeeze %dma_start3A_34 : memref<1x1024xf32, #tpu.memory_space<hbm>> -> memref<1024xf32, #tpu.memory_space<hbm>>
      %dma_start3A_36 = arith.constant 0 : i32
      %dma_start3A_37 = tpu.memref_slice %arg5[%run_scoped3A_17, %dma_start3A_36] : memref<8x1024xf32, #tpu.memory_space<vmem>> -> memref<1x1024xf32, #tpu.memory_space<vmem>>
      %dma_start3A_38 = tpu.memref_squeeze %dma_start3A_37 : memref<1x1024xf32, #tpu.memory_space<vmem>> -> memref<1024xf32, #tpu.memory_space<vmem>>
      %dma_start3A_39 = tpu.memref_slice %arg2[%run_scoped3A_16, %mul3A_2] : memref<8x32768xf32, #tpu.memory_space<hbm>> -> memref<1x1024xf32, #tpu.memory_space<hbm>>
      %dma_start3A_40 = tpu.memref_squeeze %dma_start3A_39 : memref<1x1024xf32, #tpu.memory_space<hbm>> -> memref<1024xf32, #tpu.memory_space<hbm>>
      tpu.enqueue_dma source(%dma_start3A_40 : memref<1024xf32, #tpu.memory_space<hbm>>) target(%dma_start3A_38 : memref<1024xf32, #tpu.memory_space<vmem>>) target_semaphore(%run_scoped3A_31 : memref<!tpu.dma_semaphore, #tpu.memory_space<semaphore_mem>>)
      %dma_wait3A = arith.constant 0 : i32
      %dma_wait3A_41 = tpu.memref_slice %arg5[%run_scoped3A_17, %dma_wait3A] : memref<8x1024xf32, #tpu.memory_space<vmem>> -> memref<1x1024xf32, #tpu.memory_space<vmem>>
      %dma_wait3A_42 = tpu.memref_squeeze %dma_wait3A_41 : memref<1x1024xf32, #tpu.memory_space<vmem>> -> memref<1024xf32, #tpu.memory_space<vmem>>
      %dma_wait3A_43 = tpu.memref_slice %arg2[%run_scoped3A_16, %mul3A_2] : memref<8x32768xf32, #tpu.memory_space<hbm>> -> memref<1x1024xf32, #tpu.memory_space<hbm>>
      %dma_wait3A_44 = tpu.memref_squeeze %dma_wait3A_43 : memref<1x1024xf32, #tpu.memory_space<hbm>> -> memref<1024xf32, #tpu.memory_space<hbm>>
      %dma_wait3A_45 = arith.constant 0 : i32
      %dma_wait3A_46 = tpu.memref_slice %arg5[%run_scoped3A_17, %dma_wait3A_45] : memref<8x1024xf32, #tpu.memory_space<vmem>> -> memref<1x1024xf32, #tpu.memory_space<vmem>>
      %dma_wait3A_47 = tpu.memref_squeeze %dma_wait3A_46 : memref<1x1024xf32, #tpu.memory_space<vmem>> -> memref<1024xf32, #tpu.memory_space<vmem>>
      %dma_wait3A_48 = tpu.memref_slice %arg2[%run_scoped3A_16, %mul3A_2] : memref<8x32768xf32, #tpu.memory_space<hbm>> -> memref<1x1024xf32, #tpu.memory_space<hbm>>
      %dma_wait3A_49 = tpu.memref_squeeze %dma_wait3A_48 : memref<1x1024xf32, #tpu.memory_space<hbm>> -> memref<1024xf32, #tpu.memory_space<hbm>>
      tpu.wait_dma2 semaphore(%run_scoped3A_31 : memref<!tpu.dma_semaphore, #tpu.memory_space<semaphore_mem>>) src(%dma_wait3A_49 : memref<1024xf32, #tpu.memory_space<hbm>>) dst(%dma_wait3A_47 : memref<1024xf32, #tpu.memory_space<vmem>>)
      tpu.yield
    }) : () -> ()
    %scan3A = arith.constant 0 : i32
    %scan3A_18 = arith.constant 0 : i32
    %scan3A_19 = arith.constant 64 : i32
    %scan3A_20 = arith.addi %scan3A_18, %scan3A_19 : i32
    %scan3A_21 = arith.constant 1 : i32
    scf.for %scan3A_31 = %scan3A_18 to %scan3A_20 step %scan3A_21  : i32 {
      %mul3A_32 = arith.constant 16 : i32
      %mul3A_33 = arith.muli %scan3A_31, %mul3A_32 : i32
      %get3A = arith.constant 0 : i32
      %get3A_34 = arith.index_cast %get3A : i32 to index
      %get3A_35 = arith.index_cast %mul3A_33 : i32 to index
      %get3A_36 = tpu.vector_load %arg5[%get3A_34, %get3A_35] {strides = array<i32>} : memref<8x1024xf32, #tpu.memory_space<vmem>>, vector<1x16xf32>,
      %get3A_37 = vector.shape_cast %get3A_36 : vector<1x16xf32> to vector<16xf32>
      %get3A_38 = arith.constant 1 : i32
      %get3A_39 = arith.index_cast %get3A_38 : i32 to index
      %get3A_40 = arith.index_cast %mul3A_33 : i32 to index
      %get3A_41 = tpu.vector_load %arg5[%get3A_39, %get3A_40] {strides = array<i32>} : memref<8x1024xf32, #tpu.memory_space<vmem>>, vector<1x16xf32>,
      %get3A_42 = vector.shape_cast %get3A_41 : vector<1x16xf32> to vector<16xf32>
      %get3A_43 = arith.constant 2 : i32
      %get3A_44 = arith.index_cast %get3A_43 : i32 to index
      %get3A_45 = arith.index_cast %mul3A_33 : i32 to index
      %get3A_46 = tpu.vector_load %arg5[%get3A_44, %get3A_45] {strides = array<i32>} : memref<8x1024xf32, #tpu.memory_space<vmem>>, vector<1x16xf32>,
      %get3A_47 = vector.shape_cast %get3A_46 : vector<1x16xf32> to vector<16xf32>
      %get3A_48 = arith.constant 3 : i32
      %get3A_49 = arith.index_cast %get3A_48 : i32 to index
      %get3A_50 = arith.index_cast %mul3A_33 : i32 to index
      %get3A_51 = tpu.vector_load %arg5[%get3A_49, %get3A_50] {strides = array<i32>} : memref<8x1024xf32, #tpu.memory_space<vmem>>, vector<1x16xf32>,
      %get3A_52 = vector.shape_cast %get3A_51 : vector<1x16xf32> to vector<16xf32>
      %get3A_53 = arith.constant 4 : i32
      %get3A_54 = arith.index_cast %get3A_53 : i32 to index
      %get3A_55 = arith.index_cast %mul3A_33 : i32 to index
      %get3A_56 = tpu.vector_load %arg5[%get3A_54, %get3A_55] {strides = array<i32>} : memref<8x1024xf32, #tpu.memory_space<vmem>>, vector<1x16xf32>,
      %get3A_57 = vector.shape_cast %get3A_56 : vector<1x16xf32> to vector<16xf32>
      %get3A_58 = arith.constant 5 : i32
      %get3A_59 = arith.index_cast %get3A_58 : i32 to index
      %get3A_60 = arith.index_cast %mul3A_33 : i32 to index
      %get3A_61 = tpu.vector_load %arg5[%get3A_59, %get3A_60] {strides = array<i32>} : memref<8x1024xf32, #tpu.memory_space<vmem>>, vector<1x16xf32>,
      %get3A_62 = vector.shape_cast %get3A_61 : vector<1x16xf32> to vector<16xf32>
      %get3A_63 = arith.constant 6 : i32
      %get3A_64 = arith.index_cast %get3A_63 : i32 to index
      %get3A_65 = arith.index_cast %mul3A_33 : i32 to index
      %get3A_66 = tpu.vector_load %arg5[%get3A_64, %get3A_65] {strides = array<i32>} : memref<8x1024xf32, #tpu.memory_space<vmem>>, vector<1x16xf32>,
      %get3A_67 = vector.shape_cast %get3A_66 : vector<1x16xf32> to vector<16xf32>
      %get3A_68 = arith.constant 7 : i32
      %get3A_69 = arith.index_cast %get3A_68 : i32 to index
      %get3A_70 = arith.index_cast %mul3A_33 : i32 to index
      %get3A_71 = tpu.vector_load %arg5[%get3A_69, %get3A_70] {strides = array<i32>} : memref<8x1024xf32, #tpu.memory_space<vmem>>, vector<1x16xf32>,
      %get3A_72 = vector.shape_cast %get3A_71 : vector<1x16xf32> to vector<16xf32>
      %broadcast_in_dim3A = arith.constant 0 : i32
      %broadcast_in_dim3A_73 = vector.broadcast %broadcast_in_dim3A : i32 to vector<16xi32>
      %gt3A = arith.cmpf ogt, %get3A_42, %get3A_37 : vector<16xf32>
      %select_n3A = arith.select %gt3A, %get3A_42, %get3A_37 : vector<16xi1>, vector<16xf32>
      %jit3A = arith.constant 1 : i32
      %broadcast_in_dim3A_74 = vector.broadcast %jit3A : i32 to vector<16xi32>
      %select_n3A_75 = arith.select %gt3A, %broadcast_in_dim3A_74, %broadcast_in_dim3A_73 : vector<16xi1>, vector<16xi32>
      %gt3A_76 = arith.cmpf ogt, %get3A_47, %select_n3A : vector<16xf32>
      %select_n3A_77 = arith.select %gt3A_76, %get3A_47, %select_n3A : vector<16xi1>, vector<16xf32>
      %jit3A_78 = arith.constant 2 : i32
      %broadcast_in_dim3A_79 = vector.broadcast %jit3A_78 : i32 to vector<16xi32>
      %select_n3A_80 = arith.select %gt3A_76, %broadcast_in_dim3A_79, %select_n3A_75 : vector<16xi1>, vector<16xi32>
      %gt3A_81 = arith.cmpf ogt, %get3A_52, %select_n3A_77 : vector<16xf32>
      %select_n3A_82 = arith.select %gt3A_81, %get3A_52, %select_n3A_77 : vector<16xi1>, vector<16xf32>
      %jit3A_83 = arith.constant 3 : i32
      %broadcast_in_dim3A_84 = vector.broadcast %jit3A_83 : i32 to vector<16xi32>
      %select_n3A_85 = arith.select %gt3A_81, %broadcast_in_dim3A_84, %select_n3A_80 : vector<16xi1>, vector<16xi32>
      %gt3A_86 = arith.cmpf ogt, %get3A_57, %select_n3A_82 : vector<16xf32>
      %select_n3A_87 = arith.select %gt3A_86, %get3A_57, %select_n3A_82 : vector<16xi1>, vector<16xf32>
      %jit3A_88 = arith.constant 4 : i32
      %broadcast_in_dim3A_89 = vector.broadcast %jit3A_88 : i32 to vector<16xi32>
      %select_n3A_90 = arith.select %gt3A_86, %broadcast_in_dim3A_89, %select_n3A_85 : vector<16xi1>, vector<16xi32>
      %gt3A_91 = arith.cmpf ogt, %get3A_62, %select_n3A_87 : vector<16xf32>
      %select_n3A_92 = arith.select %gt3A_91, %get3A_62, %select_n3A_87 : vector<16xi1>, vector<16xf32>
      %jit3A_93 = arith.constant 5 : i32
      %broadcast_in_dim3A_94 = vector.broadcast %jit3A_93 : i32 to vector<16xi32>
      %select_n3A_95 = arith.select %gt3A_91, %broadcast_in_dim3A_94, %select_n3A_90 : vector<16xi1>, vector<16xi32>
      %gt3A_96 = arith.cmpf ogt, %get3A_67, %select_n3A_92 : vector<16xf32>
      %select_n3A_97 = arith.select %gt3A_96, %get3A_67, %select_n3A_92 : vector<16xi1>, vector<16xf32>
      %jit3A_98 = arith.constant 6 : i32
      %broadcast_in_dim3A_99 = vector.broadcast %jit3A_98 : i32 to vector<16xi32>
      %select_n3A_100 = arith.select %gt3A_96, %broadcast_in_dim3A_99, %select_n3A_95 : vector<16xi1>, vector<16xi32>
      %gt3A_101 = arith.cmpf ogt, %get3A_72, %select_n3A_97 : vector<16xf32>
      %select_n3A_102 = arith.select %gt3A_101, %get3A_72, %select_n3A_97 : vector<16xi1>, vector<16xf32>
      %jit3A_103 = arith.constant 7 : i32
      %broadcast_in_dim3A_104 = vector.broadcast %jit3A_103 : i32 to vector<16xi32>
      %select_n3A_105 = arith.select %gt3A_101, %broadcast_in_dim3A_104, %select_n3A_100 : vector<16xi1>, vector<16xi32>
      %broadcast_in_dim3A_106 = arith.constant 0xFF800000 : f32
      %broadcast_in_dim3A_107 = vector.broadcast %broadcast_in_dim3A_106 : f32 to vector<16xf32>
      %broadcast_in_dim3A_108 = arith.constant 0 : i32
      %broadcast_in_dim3A_109 = vector.broadcast %broadcast_in_dim3A_108 : i32 to vector<16xi32>
      %eq3A = arith.constant 0 : i32
      %eq3A_110 = vector.broadcast %eq3A : i32 to vector<16xi32>
      %eq3A_111 = arith.cmpi eq, %select_n3A_105, %eq3A_110 : vector<16xi32>
      %jit3A_112 = arith.constant 0xFF800000 : f32
      %broadcast_in_dim3A_113 = vector.broadcast %jit3A_112 : f32 to vector<16xf32>
      %select_n3A_114 = arith.select %eq3A_111, %broadcast_in_dim3A_113, %get3A_37 : vector<16xi1>, vector<16xf32>
      %gt3A_115 = arith.cmpf ogt, %select_n3A_114, %broadcast_in_dim3A_107 : vector<16xf32>
      %select_n3A_116 = arith.select %gt3A_115, %select_n3A_114, %broadcast_in_dim3A_107 : vector<16xi1>, vector<16xf32>
      %jit3A_117 = arith.constant 0 : i32
      %broadcast_in_dim3A_118 = vector.broadcast %jit3A_117 : i32 to vector<16xi32>
      %select_n3A_119 = arith.select %gt3A_115, %broadcast_in_dim3A_118, %broadcast_in_dim3A_109 : vector<16xi1>, vector<16xi32>
      %eq3A_120 = arith.constant 1 : i32
      %eq3A_121 = vector.broadcast %eq3A_120 : i32 to vector<16xi32>
      %eq3A_122 = arith.cmpi eq, %select_n3A_105, %eq3A_121 : vector<16xi32>
      %jit3A_123 = arith.constant 0xFF800000 : f32
      %broadcast_in_dim3A_124 = vector.broadcast %jit3A_123 : f32 to vector<16xf32>
      %select_n3A_125 = arith.select %eq3A_122, %broadcast_in_dim3A_124, %get3A_42 : vector<16xi1>, vector<16xf32>
      %gt3A_126 = arith.cmpf ogt, %select_n3A_125, %select_n3A_116 : vector<16xf32>
      %select_n3A_127 = arith.select %gt3A_126, %select_n3A_125, %select_n3A_116 : vector<16xi1>, vector<16xf32>
      %jit3A_128 = arith.constant 1 : i32
      %broadcast_in_dim3A_129 = vector.broadcast %jit3A_128 : i32 to vector<16xi32>
      %select_n3A_130 = arith.select %gt3A_126, %broadcast_in_dim3A_129, %select_n3A_119 : vector<16xi1>, vector<16xi32>
      %eq3A_131 = arith.constant 2 : i32
      %eq3A_132 = vector.broadcast %eq3A_131 : i32 to vector<16xi32>
      %eq3A_133 = arith.cmpi eq, %select_n3A_105, %eq3A_132 : vector<16xi32>
      %jit3A_134 = arith.constant 0xFF800000 : f32
      %broadcast_in_dim3A_135 = vector.broadcast %jit3A_134 : f32 to vector<16xf32>
      %select_n3A_136 = arith.select %eq3A_133, %broadcast_in_dim3A_135, %get3A_47 : vector<16xi1>, vector<16xf32>
      %gt3A_137 = arith.cmpf ogt, %select_n3A_136, %select_n3A_127 : vector<16xf32>
      %select_n3A_138 = arith.select %gt3A_137, %select_n3A_136, %select_n3A_127 : vector<16xi1>, vector<16xf32>
      %jit3A_139 = arith.constant 2 : i32
      %broadcast_in_dim3A_140 = vector.broadcast %jit3A_139 : i32 to vector<16xi32>
      %select_n3A_141 = arith.select %gt3A_137, %broadcast_in_dim3A_140, %select_n3A_130 : vector<16xi1>, vector<16xi32>
      %eq3A_142 = arith.constant 3 : i32
      %eq3A_143 = vector.broadcast %eq3A_142 : i32 to vector<16xi32>
      %eq3A_144 = arith.cmpi eq, %select_n3A_105, %eq3A_143 : vector<16xi32>
      %jit3A_145 = arith.constant 0xFF800000 : f32
      %broadcast_in_dim3A_146 = vector.broadcast %jit3A_145 : f32 to vector<16xf32>
      %select_n3A_147 = arith.select %eq3A_144, %broadcast_in_dim3A_146, %get3A_52 : vector<16xi1>, vector<16xf32>
      %gt3A_148 = arith.cmpf ogt, %select_n3A_147, %select_n3A_138 : vector<16xf32>
      %select_n3A_149 = arith.select %gt3A_148, %select_n3A_147, %select_n3A_138 : vector<16xi1>, vector<16xf32>
      %jit3A_150 = arith.constant 3 : i32
      %broadcast_in_dim3A_151 = vector.broadcast %jit3A_150 : i32 to vector<16xi32>
      %select_n3A_152 = arith.select %gt3A_148, %broadcast_in_dim3A_151, %select_n3A_141 : vector<16xi1>, vector<16xi32>
      %eq3A_153 = arith.constant 4 : i32
      %eq3A_154 = vector.broadcast %eq3A_153 : i32 to vector<16xi32>
      %eq3A_155 = arith.cmpi eq, %select_n3A_105, %eq3A_154 : vector<16xi32>
      %jit3A_156 = arith.constant 0xFF800000 : f32
      %broadcast_in_dim3A_157 = vector.broadcast %jit3A_156 : f32 to vector<16xf32>
      %select_n3A_158 = arith.select %eq3A_155, %broadcast_in_dim3A_157, %get3A_57 : vector<16xi1>, vector<16xf32>
      %gt3A_159 = arith.cmpf ogt, %select_n3A_158, %select_n3A_149 : vector<16xf32>
      %select_n3A_160 = arith.select %gt3A_159, %select_n3A_158, %select_n3A_149 : vector<16xi1>, vector<16xf32>
      %jit3A_161 = arith.constant 4 : i32
      %broadcast_in_dim3A_162 = vector.broadcast %jit3A_161 : i32 to vector<16xi32>
      %select_n3A_163 = arith.select %gt3A_159, %broadcast_in_dim3A_162, %select_n3A_152 : vector<16xi1>, vector<16xi32>
      %eq3A_164 = arith.constant 5 : i32
      %eq3A_165 = vector.broadcast %eq3A_164 : i32 to vector<16xi32>
      %eq3A_166 = arith.cmpi eq, %select_n3A_105, %eq3A_165 : vector<16xi32>
      %jit3A_167 = arith.constant 0xFF800000 : f32
      %broadcast_in_dim3A_168 = vector.broadcast %jit3A_167 : f32 to vector<16xf32>
      %select_n3A_169 = arith.select %eq3A_166, %broadcast_in_dim3A_168, %get3A_62 : vector<16xi1>, vector<16xf32>
      %gt3A_170 = arith.cmpf ogt, %select_n3A_169, %select_n3A_160 : vector<16xf32>
      %select_n3A_171 = arith.select %gt3A_170, %select_n3A_169, %select_n3A_160 : vector<16xi1>, vector<16xf32>
      %jit3A_172 = arith.constant 5 : i32
      %broadcast_in_dim3A_173 = vector.broadcast %jit3A_172 : i32 to vector<16xi32>
      %select_n3A_174 = arith.select %gt3A_170, %broadcast_in_dim3A_173, %select_n3A_163 : vector<16xi1>, vector<16xi32>
      %eq3A_175 = arith.constant 6 : i32
      %eq3A_176 = vector.broadcast %eq3A_175 : i32 to vector<16xi32>
      %eq3A_177 = arith.cmpi eq, %select_n3A_105, %eq3A_176 : vector<16xi32>
      %jit3A_178 = arith.constant 0xFF800000 : f32
      %broadcast_in_dim3A_179 = vector.broadcast %jit3A_178 : f32 to vector<16xf32>
      %select_n3A_180 = arith.select %eq3A_177, %broadcast_in_dim3A_179, %get3A_67 : vector<16xi1>, vector<16xf32>
      %gt3A_181 = arith.cmpf ogt, %select_n3A_180, %select_n3A_171 : vector<16xf32>
      %select_n3A_182 = arith.select %gt3A_181, %select_n3A_180, %select_n3A_171 : vector<16xi1>, vector<16xf32>
      %jit3A_183 = arith.constant 6 : i32
      %broadcast_in_dim3A_184 = vector.broadcast %jit3A_183 : i32 to vector<16xi32>
      %select_n3A_185 = arith.select %gt3A_181, %broadcast_in_dim3A_184, %select_n3A_174 : vector<16xi1>, vector<16xi32>
      %eq3A_186 = arith.constant 7 : i32
      %eq3A_187 = vector.broadcast %eq3A_186 : i32 to vector<16xi32>
      %eq3A_188 = arith.cmpi eq, %select_n3A_105, %eq3A_187 : vector<16xi32>
      %jit3A_189 = arith.constant 0xFF800000 : f32
      %broadcast_in_dim3A_190 = vector.broadcast %jit3A_189 : f32 to vector<16xf32>
      %select_n3A_191 = arith.select %eq3A_188, %broadcast_in_dim3A_190, %get3A_72 : vector<16xi1>, vector<16xf32>
      %gt3A_192 = arith.cmpf ogt, %select_n3A_191, %select_n3A_182 : vector<16xf32>
      %select_n3A_193 = arith.select %gt3A_192, %select_n3A_191, %select_n3A_182 : vector<16xi1>, vector<16xf32>
      %jit3A_194 = arith.constant 7 : i32
      %broadcast_in_dim3A_195 = vector.broadcast %jit3A_194 : i32 to vector<16xi32>
      %select_n3A_196 = arith.select %gt3A_192, %broadcast_in_dim3A_195, %select_n3A_185 : vector<16xi1>, vector<16xi32>
      %sub3A = arith.subf %get3A_37, %select_n3A_102 : vector<16xf32>
      %exp3A = math.exp %sub3A : vector<16xf32>
      %sub3A_197 = arith.subf %get3A_42, %select_n3A_102 : vector<16xf32>
      %exp3A_198 = math.exp %sub3A_197 : vector<16xf32>
      %add3A_199 = arith.addf %exp3A, %exp3A_198 : vector<16xf32>
      %sub3A_200 = arith.subf %get3A_47, %select_n3A_102 : vector<16xf32>
      %exp3A_201 = math.exp %sub3A_200 : vector<16xf32>
      %add3A_202 = arith.addf %add3A_199, %exp3A_201 : vector<16xf32>
      %sub3A_203 = arith.subf %get3A_52, %select_n3A_102 : vector<16xf32>
      %exp3A_204 = math.exp %sub3A_203 : vector<16xf32>
      %add3A_205 = arith.addf %add3A_202, %exp3A_204 : vector<16xf32>
      %sub3A_206 = arith.subf %get3A_57, %select_n3A_102 : vector<16xf32>
      %exp3A_207 = math.exp %sub3A_206 : vector<16xf32>
      %add3A_208 = arith.addf %add3A_205, %exp3A_207 : vector<16xf32>
      %sub3A_209 = arith.subf %get3A_62, %select_n3A_102 : vector<16xf32>
      %exp3A_210 = math.exp %sub3A_209 : vector<16xf32>
      %add3A_211 = arith.addf %add3A_208, %exp3A_210 : vector<16xf32>
      %sub3A_212 = arith.subf %get3A_67, %select_n3A_102 : vector<16xf32>
      %exp3A_213 = math.exp %sub3A_212 : vector<16xf32>
      %add3A_214 = arith.addf %add3A_211, %exp3A_213 : vector<16xf32>
      %sub3A_215 = arith.subf %get3A_72, %select_n3A_102 : vector<16xf32>
      %exp3A_216 = math.exp %sub3A_215 : vector<16xf32>
      %add3A_217 = arith.addf %add3A_214, %exp3A_216 : vector<16xf32>
      %swap3A = arith.constant 0 : i32
      %swap3A_218 = arith.index_cast %swap3A : i32 to index
      %swap3A_219 = arith.index_cast %mul3A_33 : i32 to index
      %swap3A_220 = tpu.vector_load %arg6[%swap3A_218, %swap3A_219] {strides = array<i32>} : memref<2x1024xi32, #tpu.memory_space<vmem>>, vector<1x16xi32>,
      %swap3A_221 = vector.shape_cast %swap3A_220 : vector<1x16xi32> to vector<16xi32>
      %swap3A_222 = vector.shape_cast %select_n3A_105 : vector<16xi32> to vector<1x16xi32>
      tpu.vector_store %arg6[%swap3A_218, %swap3A_219], %swap3A_222 {strides = array<i32>} : memref<2x1024xi32, #tpu.memory_space<vmem>>, vector<1x16xi32>,
      %swap3A_223 = arith.constant 1 : i32
      %swap3A_224 = arith.index_cast %swap3A_223 : i32 to index
      %swap3A_225 = arith.index_cast %mul3A_33 : i32 to index
      %swap3A_226 = tpu.vector_load %arg6[%swap3A_224, %swap3A_225] {strides = array<i32>} : memref<2x1024xi32, #tpu.memory_space<vmem>>, vector<1x16xi32>,
      %swap3A_227 = vector.shape_cast %swap3A_226 : vector<1x16xi32> to vector<16xi32>
      %swap3A_228 = vector.shape_cast %select_n3A_196 : vector<16xi32> to vector<1x16xi32>
      tpu.vector_store %arg6[%swap3A_224, %swap3A_225], %swap3A_228 {strides = array<i32>} : memref<2x1024xi32, #tpu.memory_space<vmem>>, vector<1x16xi32>,
      %div3A = arith.constant 1.000000e+00 : f32
      %div3A_229 = vector.broadcast %div3A : f32 to vector<16xf32>
      %div3A_230 = arith.divf %div3A_229, %add3A_217 : vector<16xf32>
      %swap3A_231 = arith.constant 0 : i32
      %swap3A_232 = arith.index_cast %swap3A_231 : i32 to index
      %swap3A_233 = arith.index_cast %mul3A_33 : i32 to index
      %swap3A_234 = tpu.vector_load %arg7[%swap3A_232, %swap3A_233] {strides = array<i32>} : memref<2x1024xf32, #tpu.memory_space<vmem>>, vector<1x16xf32>,
      %swap3A_235 = vector.shape_cast %swap3A_234 : vector<1x16xf32> to vector<16xf32>
      %swap3A_236 = vector.shape_cast %div3A_230 : vector<16xf32> to vector<1x16xf32>
      tpu.vector_store %arg7[%swap3A_232, %swap3A_233], %swap3A_236 {strides = array<i32>} : memref<2x1024xf32, #tpu.memory_space<vmem>>, vector<1x16xf32>,
      %sub3A_237 = arith.subf %select_n3A_193, %select_n3A_102 : vector<16xf32>
      %exp3A_238 = math.exp %sub3A_237 : vector<16xf32>
      %div3A_239 = arith.divf %exp3A_238, %add3A_217 : vector<16xf32>
      %swap3A_240 = arith.constant 1 : i32
      %swap3A_241 = arith.index_cast %swap3A_240 : i32 to index
      %swap3A_242 = arith.index_cast %mul3A_33 : i32 to index
      %swap3A_243 = tpu.vector_load %arg7[%swap3A_241, %swap3A_242] {strides = array<i32>} : memref<2x1024xf32, #tpu.memory_space<vmem>>, vector<1x16xf32>,
      %swap3A_244 = vector.shape_cast %swap3A_243 : vector<1x16xf32> to vector<16xf32>
      %swap3A_245 = vector.shape_cast %div3A_239 : vector<16xf32> to vector<1x16xf32>
      tpu.vector_store %arg7[%swap3A_241, %swap3A_242], %swap3A_245 {strides = array<i32>} : memref<2x1024xf32, #tpu.memory_space<vmem>>, vector<1x16xf32>,
    }
    %scan3A_22 = arith.constant 64 : i32
    %run_scoped3A_23 = arith.constant 0 : i32
    %run_scoped3A_24 = arith.constant 0 : i32
    "tpu.region"() ({
      %run_scoped3A_31 = tpu.sem_alloc : memref<!tpu.dma_semaphore, #tpu.memory_space<semaphore_mem>>
      %dma_start3A = arith.constant 0 : i32
      %dma_start3A_32 = tpu.memref_slice %arg6[%run_scoped3A_23, %dma_start3A] : memref<2x1024xi32, #tpu.memory_space<vmem>> -> memref<1x1024xi32, #tpu.memory_space<vmem>>
      %dma_start3A_33 = tpu.memref_squeeze %dma_start3A_32 : memref<1x1024xi32, #tpu.memory_space<vmem>> -> memref<1024xi32, #tpu.memory_space<vmem>>
      %dma_start3A_34 = tpu.memref_slice %arg3[%run_scoped3A_24, %mul3A_2] : memref<2x32768xi32, #tpu.memory_space<hbm>> -> memref<1x1024xi32, #tpu.memory_space<hbm>>
      %dma_start3A_35 = tpu.memref_squeeze %dma_start3A_34 : memref<1x1024xi32, #tpu.memory_space<hbm>> -> memref<1024xi32, #tpu.memory_space<hbm>>
      %dma_start3A_36 = tpu.memref_slice %arg3[%run_scoped3A_24, %mul3A_2] : memref<2x32768xi32, #tpu.memory_space<hbm>> -> memref<1x1024xi32, #tpu.memory_space<hbm>>
      %dma_start3A_37 = tpu.memref_squeeze %dma_start3A_36 : memref<1x1024xi32, #tpu.memory_space<hbm>> -> memref<1024xi32, #tpu.memory_space<hbm>>
      %dma_start3A_38 = arith.constant 0 : i32
      %dma_start3A_39 = tpu.memref_slice %arg6[%run_scoped3A_23, %dma_start3A_38] : memref<2x1024xi32, #tpu.memory_space<vmem>> -> memref<1x1024xi32, #tpu.memory_space<vmem>>
      %dma_start3A_40 = tpu.memref_squeeze %dma_start3A_39 : memref<1x1024xi32, #tpu.memory_space<vmem>> -> memref<1024xi32, #tpu.memory_space<vmem>>
      tpu.enqueue_dma source(%dma_start3A_40 : memref<1024xi32, #tpu.memory_space<vmem>>) target(%dma_start3A_37 : memref<1024xi32, #tpu.memory_space<hbm>>) target_semaphore(%run_scoped3A_31 : memref<!tpu.dma_semaphore, #tpu.memory_space<semaphore_mem>>)
      %dma_wait3A = arith.constant 0 : i32
      %dma_wait3A_41 = tpu.memref_slice %arg6[%run_scoped3A_23, %dma_wait3A] : memref<2x1024xi32, #tpu.memory_space<vmem>> -> memref<1x1024xi32, #tpu.memory_space<vmem>>
      %dma_wait3A_42 = tpu.memref_squeeze %dma_wait3A_41 : memref<1x1024xi32, #tpu.memory_space<vmem>> -> memref<1024xi32, #tpu.memory_space<vmem>>
      %dma_wait3A_43 = tpu.memref_slice %arg3[%run_scoped3A_24, %mul3A_2] : memref<2x32768xi32, #tpu.memory_space<hbm>> -> memref<1x1024xi32, #tpu.memory_space<hbm>>
      %dma_wait3A_44 = tpu.memref_squeeze %dma_wait3A_43 : memref<1x1024xi32, #tpu.memory_space<hbm>> -> memref<1024xi32, #tpu.memory_space<hbm>>
      %dma_wait3A_45 = tpu.memref_slice %arg3[%run_scoped3A_24, %mul3A_2] : memref<2x32768xi32, #tpu.memory_space<hbm>> -> memref<1x1024xi32, #tpu.memory_space<hbm>>
      %dma_wait3A_46 = tpu.memref_squeeze %dma_wait3A_45 : memref<1x1024xi32, #tpu.memory_space<hbm>> -> memref<1024xi32, #tpu.memory_space<hbm>>
      %dma_wait3A_47 = arith.constant 0 : i32
      %dma_wait3A_48 = tpu.memref_slice %arg6[%run_scoped3A_23, %dma_wait3A_47] : memref<2x1024xi32, #tpu.memory_space<vmem>> -> memref<1x1024xi32, #tpu.memory_space<vmem>>
      %dma_wait3A_49 = tpu.memref_squeeze %dma_wait3A_48 : memref<1x1024xi32, #tpu.memory_space<vmem>> -> memref<1024xi32, #tpu.memory_space<vmem>>
      tpu.wait_dma2 semaphore(%run_scoped3A_31 : memref<!tpu.dma_semaphore, #tpu.memory_space<semaphore_mem>>) src(%dma_wait3A_49 : memref<1024xi32, #tpu.memory_space<vmem>>) dst(%dma_wait3A_46 : memref<1024xi32, #tpu.memory_space<hbm>>)
      tpu.yield
    }) : () -> ()
    %run_scoped3A_25 = arith.constant 0 : i32
    %run_scoped3A_26 = arith.constant 0 : i32
    "tpu.region"() ({
      %run_scoped3A_31 = tpu.sem_alloc : memref<!tpu.dma_semaphore, #tpu.memory_space<semaphore_mem>>
      %dma_start3A = arith.constant 0 : i32
      %dma_start3A_32 = tpu.memref_slice %arg7[%run_scoped3A_25, %dma_start3A] : memref<2x1024xf32, #tpu.memory_space<vmem>> -> memref<1x1024xf32, #tpu.memory_space<vmem>>
      %dma_start3A_33 = tpu.memref_squeeze %dma_start3A_32 : memref<1x1024xf32, #tpu.memory_space<vmem>> -> memref<1024xf32, #tpu.memory_space<vmem>>
      %dma_start3A_34 = tpu.memref_slice %arg4[%run_scoped3A_26, %mul3A_2] : memref<2x32768xf32, #tpu.memory_space<hbm>> -> memref<1x1024xf32, #tpu.memory_space<hbm>>
      %dma_start3A_35 = tpu.memref_squeeze %dma_start3A_34 : memref<1x1024xf32, #tpu.memory_space<hbm>> -> memref<1024xf32, #tpu.memory_space<hbm>>
      %dma_start3A_36 = tpu.memref_slice %arg4[%run_scoped3A_26, %mul3A_2] : memref<2x32768xf32, #tpu.memory_space<hbm>> -> memref<1x1024xf32, #tpu.memory_space<hbm>>
      %dma_start3A_37 = tpu.memref_squeeze %dma_start3A_36 : memref<1x1024xf32, #tpu.memory_space<hbm>> -> memref<1024xf32, #tpu.memory_space<hbm>>
      %dma_start3A_38 = arith.constant 0 : i32
      %dma_start3A_39 = tpu.memref_slice %arg7[%run_scoped3A_25, %dma_start3A_38] : memref<2x1024xf32, #tpu.memory_space<vmem>> -> memref<1x1024xf32, #tpu.memory_space<vmem>>
      %dma_start3A_40 = tpu.memref_squeeze %dma_start3A_39 : memref<1x1024xf32, #tpu.memory_space<vmem>> -> memref<1024xf32, #tpu.memory_space<vmem>>
      tpu.enqueue_dma source(%dma_start3A_40 : memref<1024xf32, #tpu.memory_space<vmem>>) target(%dma_start3A_37 : memref<1024xf32, #tpu.memory_space<hbm>>) target_semaphore(%run_scoped3A_31 : memref<!tpu.dma_semaphore, #tpu.memory_space<semaphore_mem>>)
      %dma_wait3A = arith.constant 0 : i32
      %dma_wait3A_41 = tpu.memref_slice %arg7[%run_scoped3A_25, %dma_wait3A] : memref<2x1024xf32, #tpu.memory_space<vmem>> -> memref<1x1024xf32, #tpu.memory_space<vmem>>
      %dma_wait3A_42 = tpu.memref_squeeze %dma_wait3A_41 : memref<1x1024xf32, #tpu.memory_space<vmem>> -> memref<1024xf32, #tpu.memory_space<vmem>>
      %dma_wait3A_43 = tpu.memref_slice %arg4[%run_scoped3A_26, %mul3A_2] : memref<2x32768xf32, #tpu.memory_space<hbm>> -> memref<1x1024xf32, #tpu.memory_space<hbm>>
      %dma_wait3A_44 = tpu.memref_squeeze %dma_wait3A_43 : memref<1x1024xf32, #tpu.memory_space<hbm>> -> memref<1024xf32, #tpu.memory_space<hbm>>
      %dma_wait3A_45 = tpu.memref_slice %arg4[%run_scoped3A_26, %mul3A_2] : memref<2x32768xf32, #tpu.memory_space<hbm>> -> memref<1x1024xf32, #tpu.memory_space<hbm>>
      %dma_wait3A_46 = tpu.memref_squeeze %dma_wait3A_45 : memref<1x1024xf32, #tpu.memory_space<hbm>> -> memref<1024xf32, #tpu.memory_space<hbm>>
      %dma_wait3A_47 = arith.constant 0 : i32
      %dma_wait3A_48 = tpu.memref_slice %arg7[%run_scoped3A_25, %dma_wait3A_47] : memref<2x1024xf32, #tpu.memory_space<vmem>> -> memref<1x1024xf32, #tpu.memory_space<vmem>>
      %dma_wait3A_49 = tpu.memref_squeeze %dma_wait3A_48 : memref<1x1024xf32, #tpu.memory_space<vmem>> -> memref<1024xf32, #tpu.memory_space<vmem>>
      tpu.wait_dma2 semaphore(%run_scoped3A_31 : memref<!tpu.dma_semaphore, #tpu.memory_space<semaphore_mem>>) src(%dma_wait3A_49 : memref<1024xf32, #tpu.memory_space<vmem>>) dst(%dma_wait3A_46 : memref<1024xf32, #tpu.memory_space<hbm>>)
      tpu.yield
    }) : () -> ()
    %run_scoped3A_27 = arith.constant 1 : i32
    %run_scoped3A_28 = arith.constant 1 : i32
    "tpu.region"() ({
      %run_scoped3A_31 = tpu.sem_alloc : memref<!tpu.dma_semaphore, #tpu.memory_space<semaphore_mem>>
      %dma_start3A = arith.constant 0 : i32
      %dma_start3A_32 = tpu.memref_slice %arg6[%run_scoped3A_27, %dma_start3A] : memref<2x1024xi32, #tpu.memory_space<vmem>> -> memref<1x1024xi32, #tpu.memory_space<vmem>>
      %dma_start3A_33 = tpu.memref_squeeze %dma_start3A_32 : memref<1x1024xi32, #tpu.memory_space<vmem>> -> memref<1024xi32, #tpu.memory_space<vmem>>
      %dma_start3A_34 = tpu.memref_slice %arg3[%run_scoped3A_28, %mul3A_2] : memref<2x32768xi32, #tpu.memory_space<hbm>> -> memref<1x1024xi32, #tpu.memory_space<hbm>>
      %dma_start3A_35 = tpu.memref_squeeze %dma_start3A_34 : memref<1x1024xi32, #tpu.memory_space<hbm>> -> memref<1024xi32, #tpu.memory_space<hbm>>
      %dma_start3A_36 = tpu.memref_slice %arg3[%run_scoped3A_28, %mul3A_2] : memref<2x32768xi32, #tpu.memory_space<hbm>> -> memref<1x1024xi32, #tpu.memory_space<hbm>>
      %dma_start3A_37 = tpu.memref_squeeze %dma_start3A_36 : memref<1x1024xi32, #tpu.memory_space<hbm>> -> memref<1024xi32, #tpu.memory_space<hbm>>
      %dma_start3A_38 = arith.constant 0 : i32
      %dma_start3A_39 = tpu.memref_slice %arg6[%run_scoped3A_27, %dma_start3A_38] : memref<2x1024xi32, #tpu.memory_space<vmem>> -> memref<1x1024xi32, #tpu.memory_space<vmem>>
      %dma_start3A_40 = tpu.memref_squeeze %dma_start3A_39 : memref<1x1024xi32, #tpu.memory_space<vmem>> -> memref<1024xi32, #tpu.memory_space<vmem>>
      tpu.enqueue_dma source(%dma_start3A_40 : memref<1024xi32, #tpu.memory_space<vmem>>) target(%dma_start3A_37 : memref<1024xi32, #tpu.memory_space<hbm>>) target_semaphore(%run_scoped3A_31 : memref<!tpu.dma_semaphore, #tpu.memory_space<semaphore_mem>>)
      %dma_wait3A = arith.constant 0 : i32
      %dma_wait3A_41 = tpu.memref_slice %arg6[%run_scoped3A_27, %dma_wait3A] : memref<2x1024xi32, #tpu.memory_space<vmem>> -> memref<1x1024xi32, #tpu.memory_space<vmem>>
      %dma_wait3A_42 = tpu.memref_squeeze %dma_wait3A_41 : memref<1x1024xi32, #tpu.memory_space<vmem>> -> memref<1024xi32, #tpu.memory_space<vmem>>
      %dma_wait3A_43 = tpu.memref_slice %arg3[%run_scoped3A_28, %mul3A_2] : memref<2x32768xi32, #tpu.memory_space<hbm>> -> memref<1x1024xi32, #tpu.memory_space<hbm>>
      %dma_wait3A_44 = tpu.memref_squeeze %dma_wait3A_43 : memref<1x1024xi32, #tpu.memory_space<hbm>> -> memref<1024xi32, #tpu.memory_space<hbm>>
      %dma_wait3A_45 = tpu.memref_slice %arg3[%run_scoped3A_28, %mul3A_2] : memref<2x32768xi32, #tpu.memory_space<hbm>> -> memref<1x1024xi32, #tpu.memory_space<hbm>>
      %dma_wait3A_46 = tpu.memref_squeeze %dma_wait3A_45 : memref<1x1024xi32, #tpu.memory_space<hbm>> -> memref<1024xi32, #tpu.memory_space<hbm>>
      %dma_wait3A_47 = arith.constant 0 : i32
      %dma_wait3A_48 = tpu.memref_slice %arg6[%run_scoped3A_27, %dma_wait3A_47] : memref<2x1024xi32, #tpu.memory_space<vmem>> -> memref<1x1024xi32, #tpu.memory_space<vmem>>
      %dma_wait3A_49 = tpu.memref_squeeze %dma_wait3A_48 : memref<1x1024xi32, #tpu.memory_space<vmem>> -> memref<1024xi32, #tpu.memory_space<vmem>>
      tpu.wait_dma2 semaphore(%run_scoped3A_31 : memref<!tpu.dma_semaphore, #tpu.memory_space<semaphore_mem>>) src(%dma_wait3A_49 : memref<1024xi32, #tpu.memory_space<vmem>>) dst(%dma_wait3A_46 : memref<1024xi32, #tpu.memory_space<hbm>>)
      tpu.yield
    }) : () -> ()
    %run_scoped3A_29 = arith.constant 1 : i32
    %run_scoped3A_30 = arith.constant 1 : i32
    "tpu.region"() ({
      %run_scoped3A_31 = tpu.sem_alloc : memref<!tpu.dma_semaphore, #tpu.memory_space<semaphore_mem>>
      %dma_start3A = arith.constant 0 : i32
      %dma_start3A_32 = tpu.memref_slice %arg7[%run_scoped3A_29, %dma_start3A] : memref<2x1024xf32, #tpu.memory_space<vmem>> -> memref<1x1024xf32, #tpu.memory_space<vmem>>
      %dma_start3A_33 = tpu.memref_squeeze %dma_start3A_32 : memref<1x1024xf32, #tpu.memory_space<vmem>> -> memref<1024xf32, #tpu.memory_space<vmem>>
      %dma_start3A_34 = tpu.memref_slice %arg4[%run_scoped3A_30, %mul3A_2] : memref<2x32768xf32, #tpu.memory_space<hbm>> -> memref<1x1024xf32, #tpu.memory_space<hbm>>
      %dma_start3A_35 = tpu.memref_squeeze %dma_start3A_34 : memref<1x1024xf32, #tpu.memory_space<hbm>> -> memref<1024xf32, #tpu.memory_space<hbm>>
      %dma_start3A_36 = tpu.memref_slice %arg4[%run_scoped3A_30, %mul3A_2] : memref<2x32768xf32, #tpu.memory_space<hbm>> -> memref<1x1024xf32, #tpu.memory_space<hbm>>
      %dma_start3A_37 = tpu.memref_squeeze %dma_start3A_36 : memref<1x1024xf32, #tpu.memory_space<hbm>> -> memref<1024xf32, #tpu.memory_space<hbm>>
      %dma_start3A_38 = arith.constant 0 : i32
      %dma_start3A_39 = tpu.memref_slice %arg7[%run_scoped3A_29, %dma_start3A_38] : memref<2x1024xf32, #tpu.memory_space<vmem>> -> memref<1x1024xf32, #tpu.memory_space<vmem>>
      %dma_start3A_40 = tpu.memref_squeeze %dma_start3A_39 : memref<1x1024xf32, #tpu.memory_space<vmem>> -> memref<1024xf32, #tpu.memory_space<vmem>>
      tpu.enqueue_dma source(%dma_start3A_40 : memref<1024xf32, #tpu.memory_space<vmem>>) target(%dma_start3A_37 : memref<1024xf32, #tpu.memory_space<hbm>>) target_semaphore(%run_scoped3A_31 : memref<!tpu.dma_semaphore, #tpu.memory_space<semaphore_mem>>)
      %dma_wait3A = arith.constant 0 : i32
      %dma_wait3A_41 = tpu.memref_slice %arg7[%run_scoped3A_29, %dma_wait3A] : memref<2x1024xf32, #tpu.memory_space<vmem>> -> memref<1x1024xf32, #tpu.memory_space<vmem>>
      %dma_wait3A_42 = tpu.memref_squeeze %dma_wait3A_41 : memref<1x1024xf32, #tpu.memory_space<vmem>> -> memref<1024xf32, #tpu.memory_space<vmem>>
      %dma_wait3A_43 = tpu.memref_slice %arg4[%run_scoped3A_30, %mul3A_2] : memref<2x32768xf32, #tpu.memory_space<hbm>> -> memref<1x1024xf32, #tpu.memory_space<hbm>>
      %dma_wait3A_44 = tpu.memref_squeeze %dma_wait3A_43 : memref<1x1024xf32, #tpu.memory_space<hbm>> -> memref<1024xf32, #tpu.memory_space<hbm>>
      %dma_wait3A_45 = tpu.memref_slice %arg4[%run_scoped3A_30, %mul3A_2] : memref<2x32768xf32, #tpu.memory_space<hbm>> -> memref<1x1024xf32, #tpu.memory_space<hbm>>
      %dma_wait3A_46 = tpu.memref_squeeze %dma_wait3A_45 : memref<1x1024xf32, #tpu.memory_space<hbm>> -> memref<1024xf32, #tpu.memory_space<hbm>>
      %dma_wait3A_47 = arith.constant 0 : i32
      %dma_wait3A_48 = tpu.memref_slice %arg7[%run_scoped3A_29, %dma_wait3A_47] : memref<2x1024xf32, #tpu.memory_space<vmem>> -> memref<1x1024xf32, #tpu.memory_space<vmem>>
      %dma_wait3A_49 = tpu.memref_squeeze %dma_wait3A_48 : memref<1x1024xf32, #tpu.memory_space<vmem>> -> memref<1024xf32, #tpu.memory_space<vmem>>
      tpu.wait_dma2 semaphore(%run_scoped3A_31 : memref<!tpu.dma_semaphore, #tpu.memory_space<semaphore_mem>>) src(%dma_wait3A_49 : memref<1024xf32, #tpu.memory_space<vmem>>) dst(%dma_wait3A_46 : memref<1024xf32, #tpu.memory_space<hbm>>)
      tpu.yield
    }) : () -> ()
    return
  }
}

module attributes {stable_mosaic.version = 14 : i64} {
  func.func @_logits_body(%arg0: i32, %arg1: memref<4096x768xf32, #tpu.memory_space<vmem>>, %arg2: memref<8x768xf32, #tpu.memory_space<vmem>>, %arg3: memref<8x4096xf32, #tpu.memory_space<vmem>>) attributes {dimension_semantics = [#tpu.dimension_semantics<arbitrary>], iteration_bounds = array<i64: 8>, scalar_prefetch = 0 : i64, scratch_operands = 0 : i64, tpu.core_type = #tpu.core_type<tc>, window_params = [{transform_indices = @transform_0, window_bounds = array<i64: 4096, 768>}, {pipeline_mode = #tpu.pipeline_mode<synchronous>, transform_indices = @transform_1, window_bounds = array<i64: 8, 768>}, {transform_indices = @transform_2, window_bounds = array<i64: 8, 4096>}]} {
    %get3A = arith.constant 0 : index
    %get3A_0 = arith.constant 0 : index
    %get3A_1 = vector.load %arg2[%get3A, %get3A_0] : memref<8x768xf32, #tpu.memory_space<vmem>>, vector<8x768xf32>
    %get3A_2 = arith.constant 0 : index
    %get3A_3 = arith.constant 0 : index
    %get3A_4 = vector.load %arg1[%get3A_2, %get3A_3] : memref<4096x768xf32, #tpu.memory_space<vmem>>, vector<4096x768xf32>
    %dot_general3A = arith.constant dense<0.000000e+00> : vector<8x4096xf32>
    %dot_general3A_5 = tpu.matmul %get3A_1, %get3A_4, %dot_general3A {dimension_numbers = #tpu.dot_dimension_numbers<[1], [1], [0], [0], [0, 0, 1, 0], [], []>, transpose_lhs_hint = false} : vector<8x768xf32>, vector<4096x768xf32>, vector<8x4096xf32> -> vector<8x4096xf32>
    %swap3A = arith.constant 0 : index
    %swap3A_6 = arith.constant 0 : index
    %swap3A_7 = vector.load %arg3[%swap3A, %swap3A_6] : memref<8x4096xf32, #tpu.memory_space<vmem>>, vector<8x4096xf32>
    tpu.vector_store %arg3[%swap3A, %swap3A_6], %dot_general3A_5 {strides = array<i32>} : memref<8x4096xf32, #tpu.memory_space<vmem>>, vector<8x4096xf32>,
    return
  }
  func.func @transform_0(%arg0: i32) -> (i32, i32) {
    %c0_i32 = arith.constant 0 : i32
    %c0_i32_0 = arith.constant 0 : i32
    return %arg0, %c0_i32 : i32, i32
  }
  func.func @transform_1(%arg0: i32) -> (i32, i32) {
    %c0_i32 = arith.constant 0 : i32
    %c0_i32_0 = arith.constant 0 : i32
    %c0_i32_1 = arith.constant 0 : i32
    return %c0_i32, %c0_i32_0 : i32, i32
  }
  func.func @transform_2(%arg0: i32) -> (i32, i32) {
    %c0_i32 = arith.constant 0 : i32
    %c0_i32_0 = arith.constant 0 : i32
    return %c0_i32, %arg0 : i32, i32
  }
}

</mosaic_0001>

<sc_bundles>
// kernel: kernel.4.cloned.1.call-start
scs
__scs_entry_jumppad:
0x0: {  	(pc) =	sbr.rel $0x88, $3  }
0x1: {  	(tag) =	ssettag $0x0;
	lr =	simm.s32 $0x1  }
0x2: {  	[smem:$0x3F9F] =	sst lr;
	_ =	strace $0xD0000000  }
0x3: {  	_ = 	snop  }
0x4: {  	_ = 	snop  }
0x5: {  	_ = 	snop  }
0x6: {  	_ = 	snop  }
0x7: {  	_ = 	snop  }
__scs_overlays_trampoline_lowered:
0x8: {  	[smem:$0x3FAE] =	sst s0  }
0x9: {  	[smem:$0x3FAF] =	sst s1  }
0xa: {  	[smem:$0x3FB0] =	sst s2  }
0xb: {  	[smem:$0x3FB1] =	sst s3  }
0xc: {  	[smem:$0x3FB2] =	sst s4  }
0xd: {  	[smem:$0x3FB3] =	sst s5  }
0xe: {  	[smem:$0x3FB4] =	sst s6  }
0xf: {  	[smem:$0x3FB5] =	sst s7  }
0x10: {  	[smem:$0x3FB6] =	sst s8  }
0x11: {  	[smem:$0x3FB7] =	sst s9;
	s0 =	simm.s32 @!p0 $0x0  }
0x12: {  	s1 =	sld [smem:$0x3F9D];
	s0 =	simm.s32 @p0 $0x1  }
0x13: {  	[smem:$0x3FB8] =	sst s0;
	s0 =	simm.s32 @!p1 $0x0  }
0x14: {  	s2 =	sld [smem:$0x3F9C];
	s0 =	simm.s32 @p1 $0x1  }
0x15: {  	[smem:$0x3FB9] =	sst s0;
	s0 =	simm.s32 @!p2 $0x0  }
0x16: {  	s3 =	sld [smem:$0x3FDB];
	s0 =	simm.s32 @p2 $0x1  }
0x17: {  	s4 =	simm.s32 $0x1BF5;
	[smem:$0x3FBB] =	sst s0  }
0x18: {  	s0 =	sld [smem:$0x3F9E];
	_ =	swait.ge [sflag:s4], $0x0  }
0x19: {  	s7 =	sld [smem:$0x3F9F]  }
0x1a: {  	s8 =	sadd.s32 $0xFFFFE003, lr  }
0x1b: {  	s9 =	sadd.s32 $0xFFFFFEF7, lr;
	s5 =	simm.s32 $0xFFFFFFFF;
	p2 =	slt.u32 s8, $0xFFFFF086  }
0x1c: {  	p1 =	slt.u32 s9, $0xF7A;
	s5 =	simm.s32 @!p2 $0x0  }
0x1d: {  	s5 =	simm.s32 @p1 $0x1;
	p0 =	seq.s32 s7, s2  }
0x1e: {  	s7 =	smul.u32 @!p0 $0xF7A, s2;
	p2 =	seq.s32 @!p0 s5, $0x0  }
0x1f: {  	s9 =	smul.u32 $0xF7A, s1;
	s8 =	simm.s32 @!p0 $0x1BF5;
	p2 =	por !p2, p0  }
0x20: {  	[sflag:s8] =	ssyncset.s32 @!p0 $0xFFFFF086;
	s6 =	sadd.s32 @!p0 s3, s7;
	s7 =	simm.s32 @!p0 $0x108  }
0x21: {  	s3 =	sadd.s32 s3, s9;
	s6 =	sadd.s32 @!p0 $0x88, s6;
	s7 =	simm.s32 @p2 $0x1082  }
0x22: {  	[simem:s7], [sflag:s8] =	dma.local @!p0 [hbm:s6], $0xF7A  }
0x23: {  	s9 =	sor.u32 $0xD0000000, s2;
	s6 =	simm.s32 $0x108;
	_ =	swait.ge @!p0 [sflag:s8], $0x0  }
0x24: {  	s3 =	sadd.s32 $0x88, s3;
	s6 =	simm.s32 @!p1 $0x1082;
	[sflag:s4] =	ssyncset.s32 $0xFFFFF086  }
0x25: {  	[simem:s6], [sflag:s4] =	dma.local [hbm:s3], $0xF7A  }
0x26: {  	[smem:$0x3F9F] =	sst s1;
	(tag) =	ssettag s2;
	_ =	strace s9  }
0x27: {  	s1 =	sld [smem:$0x3FAF]  }
0x28: {  	s2 =	sld [smem:$0x3FB0]  }
0x29: {  	s4 =	sld [smem:$0x3FB2]  }
0x2a: {  	p0 =	seq.s32 s5, $0x0;
	s5 =	sld [smem:$0x3FB3]  }
0x2b: {  	s6 =	sld [smem:$0x3FB4]  }
0x2c: {  	s7 =	sld [smem:$0x3FB5]  }
0x2d: {  	s3 =	simm.s32 $0x108;
	s8 =	sld [smem:$0x3FB6]  }
0x2e: {  	s3 =	simm.s32 @!p0 $0x1082;
	s9 =	sld [smem:$0x3FB7]  }
0x2f: {  	lr =	sadd.s32 s0, s3;
	s0 =	sld [smem:$0x3FAE]  }
0x30: {  	s3 =	sld [smem:$0x3FB1]  }
0x31: {  	[smem:$0x3FBA] =	sst s10  }
0x32: {  	s10 =	sld [smem:$0x3FB8];
	_ =	sdelay $0x3  }
0x33: {  	p0 =	seq.s32 s10, $0x1;
	s10 =	sld [smem:$0x3FBA];
	_ =	sdelay $0x3  }
0x34: {  	[smem:$0x3FBA] =	sst s10  }
0x35: {  	s10 =	sld [smem:$0x3FB9];
	_ =	sdelay $0x3  }
0x36: {  	p1 =	seq.s32 s10, $0x1;
	s10 =	sld [smem:$0x3FBA];
	_ =	sdelay $0x3  }
0x37: {  	[smem:$0x3FBA] =	sst s10  }
0x38: {  	s10 =	sld [smem:$0x3FBB]  }
0x39: {  	_ = 	snop;
	(pc) =	sbr.ind lr, $3  }
0x3a: {  	_ = 	snop  }
0x3b: {  	_ = 	snop  }
0x3c: {  	p2 =	seq.s32 s10, $0x1;
	s10 =	sld [smem:$0x3FBA]  }
0x3d: {  	_ =	shalt  }
0x3e: {  	_ =	shalt  }
0x3f: {  	_ =	shalt  }
0x40: {  	_ =	shalt  }
0x41: {  	_ =	shalt  }
0x42: {  	_ =	shalt  }
0x43: {  	_ =	shalt  }
0x44: {  	_ =	shalt  }
0x45: {  	_ =	shalt  }
0x46: {  	_ =	shalt  }
0x47: {  	_ =	shalt  }
0x48: {  	_ =	shalt  }
0x49: {  	_ =	shalt  }
0x4a: {  	_ =	shalt  }
0x4b: {  	_ =	shalt  }
0x4c: {  	_ =	shalt  }
0x4d: {  	_ =	shalt  }
0x4e: {  	_ =	shalt  }
0x4f: {  	_ =	shalt  }
0x50: {  	_ =	shalt  }
0x51: {  	_ =	shalt  }
0x52: {  	_ =	shalt  }
0x53: {  	_ =	shalt  }
0x54: {  	_ =	shalt  }
0x55: {  	_ =	shalt  }
0x56: {  	_ =	shalt  }
0x57: {  	_ =	shalt  }
0x58: {  	_ =	shalt  }
0x59: {  	_ =	shalt  }
0x5a: {  	_ =	shalt  }
0x5b: {  	_ =	shalt  }
0x5c: {  	_ =	shalt  }
0x5d: {  	_ =	shalt  }
0x5e: {  	_ =	shalt  }
0x5f: {  	_ =	shalt  }
0x60: {  	_ =	shalt  }
0x61: {  	_ =	shalt  }
0x62: {  	_ =	shalt  }
0x63: {  	_ =	shalt  }
0x64: {  	_ =	shalt  }
0x65: {  	_ =	shalt  }
0x66: {  	_ =	shalt  }
0x67: {  	_ =	shalt  }
0x68: {  	_ =	shalt  }
0x69: {  	_ =	shalt  }
0x6a: {  	_ =	shalt  }
0x6b: {  	_ =	shalt  }
0x6c: {  	_ =	shalt  }
0x6d: {  	_ =	shalt  }
0x6e: {  	_ =	shalt  }
0x6f: {  	_ =	shalt  }
0x70: {  	_ =	shalt  }
0x71: {  	_ =	shalt  }
0x72: {  	_ =	shalt  }
0x73: {  	_ =	shalt  }
0x74: {  	_ =	shalt  }
0x75: {  	_ =	shalt  }
0x76: {  	_ =	shalt  }
0x77: {  	_ =	shalt  }
0x78: {  	_ =	shalt  }
0x79: {  	_ =	shalt  }
0x7a: {  	_ =	shalt  }
0x7b: {  	_ =	shalt  }
0x7c: {  	_ =	shalt  }
0x7d: {  	_ =	shalt  }
0x7e: {  	_ =	shalt  }
0x7f: {  	_ =	shalt  }
0x80: {  	_ =	shalt  }
0x81: {  	_ =	shalt  }
0x82: {  	_ =	shalt  }
0x83: {  	_ =	shalt  }
0x84: {  	_ =	shalt  }
0x85: {  	_ =	shalt  }
0x86: {  	_ =	shalt  }
0x87: {  	_ =	shalt  }
.Lfunc_end0:
.L_simem_size_0:
called_computation_lowered:
.L_overlay_start_0:
0x88: {  	s2 =	sld [smem:$0x3FD9]  }
0x89: {  	s3 =	sld [smem:$0x3FFE];
	_ =	sdelay $0x1  }
0x8a: {  	s1 =	srdreg.scid  }
0x8b: {  	s0 =	sand.u32 $0x1, s1  }
0x8c: {  	s14 =	sshll.u32 s0, $0xA;
	s2 =	sadd.s32 s3, s2  }
0x8d: {  	s2 =	sadd.s32 s2, s14  }
0x8e: {  	[smem:$0x3FC6] =	sst s2  }
0x8f: {  	_ = 	snop  }
0x90: {  	s2 =	sld [smem:$0x3FD0];
	_ =	sdelay $0x2  }
0x91: {  	s15 =	simm.s32 $0xA;
	s4 =	simm.s32 $0x10  }
0x92: {  	[smem:s4], [sflag:s15] =	dma.local [hbm:s2], $0x1  }
0x93: {  	_ =	swait.eq [sflag:s15], $0x1  }
0x94: {  	[sflag:s15] =	ssyncset.done $0x0  }
0x95: {  	s16 =	sld [smem:$0x10];
	[sflag:s15] =	ssyncadd.s32 $0xFFFFFFFF  }
0x96: {  	s17 =	sld [smem:$0x11];
	(tm) =	ssettm $0x1  }
0x97: {  	s18 =	sld [smem:$0x3FFB];
	_ =	sdelay $0x3  }
0x98: {  	_ =	strace s18  }
0x99: {  	s4 =	sld [smem:$0x3FFC];
	_ =	sdelay $0x3  }
0x9a: {  	_ =	strace s4  }
0x9b: {  	s4 =	sld [smem:$0x3FFD];
	_ =	sdelay $0x3  }
0x9c: {  	_ =	strace s4  }
0x9d: {  	_ =	strace $0x8FFFFFFF  }
0x9e: {  	s19 =	sld [smem:$0x3FDB];
	_ =	sdelay $0x1  }
0x9f: {  	s5 =	simm.s32 $_scs_section_size  }
0xa0: {  	s6 =	simm.s32 $_size__tile_overlayer_lowered;
	s7 =	simm.s32 $_tile_overlayer_lowered  }
0xa1: {  	s22 =	simm.s32 $0x1BFF;
	s21 =	sshll.u32 s7, $0x1;
	s4 =	sadd.s32 s5, s19  }
0xa2: {  	s8 =	simm.s32 $0x0;
	s20 =	sshll.u32 s6, $0x1;
	s6 =	sadd.s32 s21, s4  }
0xa3: {  	[timem:s8], [sflag:s22] =	dma.local [hbm:s6], s20  }
0xa4: {  	_ =	swait.ge [sflag:s22], s20  }
0xa5: {  	s5 =	ssub.s32 $0x0, s20;
	[sflag:s22] =	ssyncset.done $0x0  }
0xa6: {  	[sflag:s22] =	ssyncadd.s32 s5;
	_ =	sdelay $0x1  }
0xa7: {  	s23 =	simm.s32 $0x1B8B  }
0xa8: {  	_ =	swait.ge [sflag:s23], $0x1  }
0xa9: {  	[sflag:s23] =	ssyncset.done $0x0  }
0xaa: {  	s25 =	simm.s32 $0x1B8E;
	s24 =	sld [smem:$0x3FFE];
	[sflag:s23] =	ssyncadd.s32 $0xFFFFFFFF  }
0xab: {  	s26 =	simm.s32 $execute0_lowered;
	[smem:$0x3FD2] =	sst s25  }
0xac: {  	s6 =	sshll.u32 s26, $0x1;
	_ =	strace $0x80000046;
	[dreg:$0x1] =	wrdreg $0xFFFFFFFF  }
0xad: {  	s28 =	simm.s32 $_size_execute0_lowered;
	s4 =	sadd.s32 s4, s6;
	[dreg:$0x0] =	wrdreg $0x0  }
0xae: {  	s6 =	sshll.u32 s28, $0x1;
	[dreg:$0x2] =	wrdreg s4  }
0xaf: {  	[dreg:$0x3] =	wrdreg s6  }
0xb0: {  	[dreg:$0x4] =	wrdreg $0xC0  }
0xb1: {  	_ =	task [dreg:s8], $0x5FFFF  }
0xb2: {  	[dreg:$0x1] =	wrdreg $0xFFFFFFFF  }
0xb3: {  	[dreg:$0x0] =	wrdreg $0x60  }
0xb4: {  	[dreg:$0x2] =	wrdreg s24  }
0xb5: {  	[dreg:$0x3] =	wrdreg s16  }
0xb6: {  	[dreg:$0x4] =	wrdreg s17  }
0xb7: {  	[dreg:$0x5] =	wrdreg $0x9  }
0xb8: {  	_ =	task.clear_ibuf [dreg:s8], $0x6FFFF;
	_ =	strace $0x90000046  }
0xb9: {  	s29 =	simm.s32 $0x9;
	_ =	strace $0x80000048  }
0xba: {  	_ =	swait.ge [sflag:s29], $0x1  }
0xbb: {  	[sflag:s29] =	ssyncadd.s32 $0xFFFFFFFF  }
0xbc: {  	_ =	strace $0x90000048  }
0xbd: {  	_ =	sfence  }
0xbe: {  	s30 =	sld [smem:$0x0];
	_ =	sdelay $0x2  }
0xbf: {  	s31 =	sshll.u32 s1, $0xD;
	s1 =	sshrl.u32 s1, $0x2  }
0xc0: {  	s3 =	sand.u32 $0x4000, s31;
	s1 =	sadd.s32 s1, s30  }
0xc1: {  	s0 =	sor.u32 s3, s0;
	s1 =	sshll.u32 s1, $0x11  }
0xc2: {  	s0 =	sor.u32 s1, s0  }
0xc3: {  	s0 =	sadd.s32 $0x8F2B, s0  }
0xc4: {  	[sflag:s0] =	ssyncadd.remote.s32 $0x1  }
0xc5: {  	_ =	sfence.sel $0xFFFF  }
0xc6: {  	[dreg:$0x0] =	wrdreg $0xFFFFFFFF;
	(pc) =	sbr.abs _section_cstart, $3  }
0xc7: {  	[dreg:$0x1] =	wrdreg $0xFFFFFFFF  }
0xc8: {  	_ =	task.clear_ibuf [dreg:s8], $0x2FFFF;
	_ =	strace $0x9FFFFFFF  }
0xc9: {  	(tm) =	ssettm $0x7FFFFFFF  }
tec
execute0_lowered:
.L_overlay_start_1:
0x0: {  	(tag) =	ssettag $0x1  }
0x1: {  	s0 =	rddreg [dreg:$0x0]  }
0x2: {  	s1 =	rddreg [dreg:$0x1]  }
0x3: {  	s14 =	rddreg [dreg:$0x2]  }
0x4: {  	s2 =	srdreg.scid;
	s4 =	stileid.u32  }
0x5: {  	s31 =	simm.s32 $0x1;
	s28 =	simm.s32 $0x2F80;
	s29 =	simm.s32 $0x0  }
0x6: {  	s3 =	sand.u32 $0x1, s2;
	s2 =	simm.s32 $0x0;
	s4 =	sshll.u32 s4, $0xB  }
0x7: {  	s5 =	sshll.u32 s3, $0xA;
	[smem:$0x7FF] =	sst s2;
	s3 =	ssub.s32 $0x2, s3  }
0x8: {  	s10 =	sor.u32 s5, s4;
	_ =	strace $0x80000047;
	s30 =	sshrl.u32 s3, $0x1  }
0x9: {  	s0 =	sadd.s32 s10, s0;
	s15 =	ssub.s32 s3, s30;
	s12 =	sshrl.u32 s10, $0x2  }
0xa: {  	s3 =	sadd.s32 $0xC00, s0;
	s4 =	sadd.s32 $0xC10, s0;
	s5 =	sadd.s32 $0xC20, s0  }
0xb: {  	s6 =	sadd.s32 $0xC30, s0;
	s7 =	sadd.s32 $0xC40, s0;
	s8 =	sadd.s32 $0xC50, s0  }
0xc: {  	s9 =	sadd.s32 $0xC60, s0;
	s10 =	sadd.s32 $0xC70, s0;
	s11 =	sadd.s32 s1, s12  }
0xd: {  	s16 =	sor.u32 $0x10, s12;
	s12 =	sadd.s32 s14, s12;
	s15 =	smax.u32 s15, $0x1  }
0xe: {  	s17 =	sadd.s32 $0xD00, s0;
	s18 =	sadd.s32 $0xD80, s0;
	s19 =	sadd.s32 $0xE00, s0  }
0xf: {  	s20 =	sadd.s32 $0xE80, s0;
	s21 =	sadd.s32 $0xF00, s0;
	s22 =	sadd.s32 $0xF80, s0  }
0x10: {  	v0 =	vimm.s32 $0x0;
	s13 =	sadd.s32 s1, s16;
	s14 =	sadd.s32 s14, s16;
	s16 =	sadd.s32 $0xC80, s0  }
.LBB2_1:
0x11: {  	[tilespmem:s2], [sflag:$0x1] =	stream.linear.gather [hbm4b:s3+s2], $0x80, $0x38;
	[tilespmem:$0x3000] =	vst v63  }
0x12: {  	s0 =	simm.s32 $0x400  }
0x13: {  	[tilespmem:s0], [sflag:$0x1] =	stream.linear.gather [hbm4b:s16+s2], $0x80, $0x38;
	[tilespmem:$0x3000] =	vst v63  }
0x14: {  	s1 =	simm.s32 $0x800  }
0x15: {  	[tilespmem:s1], [sflag:$0x1] =	stream.linear.gather [hbm4b:s17+s2], $0x80, $0x38;
	[tilespmem:$0x3000] =	vst v63  }
0x16: {  	s23 =	simm.s32 $0xC00  }
0x17: {  	[tilespmem:s23], [sflag:$0x1] =	stream.linear.gather [hbm4b:s18+s2], $0x80, $0x38;
	[tilespmem:$0x3000] =	vst v63  }
0x18: {  	s24 =	simm.s32 $0x1000  }
0x19: {  	[tilespmem:s24], [sflag:$0x1] =	stream.linear.gather [hbm4b:s19+s2], $0x80, $0x38;
	[tilespmem:$0x3000] =	vst v63  }
0x1a: {  	s25 =	simm.s32 $0x1400  }
0x1b: {  	[tilespmem:s25], [sflag:$0x1] =	stream.linear.gather [hbm4b:s20+s2], $0x80, $0x38;
	[tilespmem:$0x3000] =	vst v63  }
0x1c: {  	s26 =	simm.s32 $0x1800  }
0x1d: {  	[tilespmem:s26], [sflag:$0x1] =	stream.linear.gather [hbm4b:s21+s2], $0x80, $0x38;
	[tilespmem:$0x3000] =	vst v63  }
0x1e: {  	s1 =	simm.s32 $0x1C00  }
0x1f: {  	[tilespmem:s1], [sflag:$0x1] =	stream.linear.gather [hbm4b:s22+s2], $0x80, $0x38;
	[tilespmem:$0x3000] =	vst v63  }
0x20: {  	_ =	swait.ge [sflag:s31], $0x400  }
0x21: {  	[sflag:s31] =	ssyncset.done $0x0  }
0x22: {  	s23 =	simm.s32 $0x80;
	[sflag:s31] =	ssyncadd.s32 $0xFFFFFC00  }
0x23: {  	[tilespmem:s23], [sflag:$0x1] =	stream.linear.gather [hbm4b:s4+s2], $0x80, $0x38;
	[tilespmem:$0x3000] =	vst v63  }
0x24: {  	s24 =	sadd.s32 $0x80, s4;
	s1 =	simm.s32 $0x480  }
0x25: {  	[tilespmem:s1], [sflag:$0x1] =	stream.linear.gather [hbm4b:s24+s2], $0x80, $0x38;
	[tilespmem:$0x3000] =	vst v63  }
0x26: {  	s25 =	sadd.s32 $0x100, s4;
	s26 =	simm.s32 $0x880  }
0x27: {  	[tilespmem:s26], [sflag:$0x1] =	stream.linear.gather [hbm4b:s25+s2], $0x80, $0x38;
	[tilespmem:$0x3000] =	vst v63  }
0x28: {  	s23 =	sadd.s32 $0x180, s4;
	s24 =	simm.s32 $0xC80  }
0x29: {  	[tilespmem:s24], [sflag:$0x1] =	stream.linear.gather [hbm4b:s23+s2], $0x80, $0x38;
	[tilespmem:$0x3000] =	vst v63  }
0x2a: {  	s25 =	sadd.s32 $0x200, s4;
	s26 =	simm.s32 $0x1080  }
0x2b: {  	[tilespmem:s26], [sflag:$0x1] =	stream.linear.gather [hbm4b:s25+s2], $0x80, $0x38;
	[tilespmem:$0x3000] =	vst v63  }
0x2c: {  	s23 =	sadd.s32 $0x280, s4;
	s24 =	simm.s32 $0x1480  }
0x2d: {  	[tilespmem:s24], [sflag:$0x1] =	stream.linear.gather [hbm4b:s23+s2], $0x80, $0x38;
	[tilespmem:$0x3000] =	vst v63  }
0x2e: {  	s25 =	sadd.s32 $0x300, s4;
	s26 =	simm.s32 $0x1880  }
0x2f: {  	[tilespmem:s26], [sflag:$0x1] =	stream.linear.gather [hbm4b:s25+s2], $0x80, $0x38;
	[tilespmem:$0x3000] =	vst v63  }
0x30: {  	s1 =	sadd.s32 $0x380, s4;
	s23 =	simm.s32 $0x1C80  }
0x31: {  	[tilespmem:s23], [sflag:$0x1] =	stream.linear.gather [hbm4b:s1+s2], $0x80, $0x38;
	[tilespmem:$0x3000] =	vst v63  }
0x32: {  	_ =	swait.ge [sflag:s31], $0x400  }
0x33: {  	[sflag:s31] =	ssyncset.done $0x0  }
0x34: {  	s24 =	simm.s32 $0x100;
	[sflag:s31] =	ssyncadd.s32 $0xFFFFFC00  }
0x35: {  	[tilespmem:s24], [sflag:$0x1] =	stream.linear.gather [hbm4b:s5+s2], $0x80, $0x38;
	[tilespmem:$0x3000] =	vst v63  }
0x36: {  	s25 =	sadd.s32 $0x80, s5;
	s26 =	simm.s32 $0x500  }
0x37: {  	[tilespmem:s26], [sflag:$0x1] =	stream.linear.gather [hbm4b:s25+s2], $0x80, $0x38;
	[tilespmem:$0x3000] =	vst v63  }
0x38: {  	s23 =	sadd.s32 $0x100, s5;
	s24 =	simm.s32 $0x900  }
0x39: {  	[tilespmem:s24], [sflag:$0x1] =	stream.linear.gather [hbm4b:s23+s2], $0x80, $0x38;
	[tilespmem:$0x3000] =	vst v63  }
0x3a: {  	s25 =	sadd.s32 $0x180, s5;
	s26 =	simm.s32 $0xD00  }
0x3b: {  	[tilespmem:s26], [sflag:$0x1] =	stream.linear.gather [hbm4b:s25+s2], $0x80, $0x38;
	[tilespmem:$0x3000] =	vst v63  }
0x3c: {  	s23 =	sadd.s32 $0x200, s5;
	s24 =	simm.s32 $0x1100  }
0x3d: {  	[tilespmem:s24], [sflag:$0x1] =	stream.linear.gather [hbm4b:s23+s2], $0x80, $0x38;
	[tilespmem:$0x3000] =	vst v63  }
0x3e: {  	s25 =	sadd.s32 $0x280, s5;
	s26 =	simm.s32 $0x1500  }
0x3f: {  	[tilespmem:s26], [sflag:$0x1] =	stream.linear.gather [hbm4b:s25+s2], $0x80, $0x38;
	[tilespmem:$0x3000] =	vst v63  }
0x40: {  	s23 =	sadd.s32 $0x300, s5;
	s24 =	simm.s32 $0x1900  }
0x41: {  	[tilespmem:s24], [sflag:$0x1] =	stream.linear.gather [hbm4b:s23+s2], $0x80, $0x38;
	[tilespmem:$0x3000] =	vst v63  }
0x42: {  	s25 =	sadd.s32 $0x380, s5;
	s26 =	simm.s32 $0x1D00  }
0x43: {  	[tilespmem:s26], [sflag:$0x1] =	stream.linear.gather [hbm4b:s25+s2], $0x80, $0x38;
	[tilespmem:$0x3000] =	vst v63  }
0x44: {  	_ =	swait.ge [sflag:s31], $0x400  }
0x45: {  	[sflag:s31] =	ssyncset.done $0x0  }
0x46: {  	s1 =	simm.s32 $0x180;
	[sflag:s31] =	ssyncadd.s32 $0xFFFFFC00  }
0x47: {  	[tilespmem:s1], [sflag:$0x1] =	stream.linear.gather [hbm4b:s6+s2], $0x80, $0x38;
	[tilespmem:$0x3000] =	vst v63  }
0x48: {  	s23 =	sadd.s32 $0x80, s6;
	s24 =	simm.s32 $0x580  }
0x49: {  	[tilespmem:s24], [sflag:$0x1] =	stream.linear.gather [hbm4b:s23+s2], $0x80, $0x38;
	[tilespmem:$0x3000] =	vst v63  }
0x4a: {  	s25 =	sadd.s32 $0x100, s6;
	s26 =	simm.s32 $0x980  }
0x4b: {  	[tilespmem:s26], [sflag:$0x1] =	stream.linear.gather [hbm4b:s25+s2], $0x80, $0x38;
	[tilespmem:$0x3000] =	vst v63  }
0x4c: {  	s23 =	sadd.s32 $0x180, s6;
	s24 =	simm.s32 $0xD80  }
0x4d: {  	[tilespmem:s24], [sflag:$0x1] =	stream.linear.gather [hbm4b:s23+s2], $0x80, $0x38;
	[tilespmem:$0x3000] =	vst v63  }
0x4e: {  	s25 =	sadd.s32 $0x200, s6;
	s26 =	simm.s32 $0x1180  }
0x4f: {  	[tilespmem:s26], [sflag:$0x1] =	stream.linear.gather [hbm4b:s25+s2], $0x80, $0x38;
	[tilespmem:$0x3000] =	vst v63  }
0x50: {  	s23 =	sadd.s32 $0x280, s6;
	s24 =	simm.s32 $0x1580  }
0x51: {  	[tilespmem:s24], [sflag:$0x1] =	stream.linear.gather [hbm4b:s23+s2], $0x80, $0x38;
	[tilespmem:$0x3000] =	vst v63  }
0x52: {  	s25 =	sadd.s32 $0x300, s6;
	s26 =	simm.s32 $0x1980  }
0x53: {  	[tilespmem:s26], [sflag:$0x1] =	stream.linear.gather [hbm4b:s25+s2], $0x80, $0x38;
	[tilespmem:$0x3000] =	vst v63  }
0x54: {  	s1 =	sadd.s32 $0x380, s6;
	s23 =	simm.s32 $0x1D80  }
0x55: {  	[tilespmem:s23], [sflag:$0x1] =	stream.linear.gather [hbm4b:s1+s2], $0x80, $0x38;
	[tilespmem:$0x3000] =	vst v63  }
0x56: {  	_ =	swait.ge [sflag:s31], $0x400  }
0x57: {  	[sflag:s31] =	ssyncset.done $0x0  }
0x58: {  	s24 =	simm.s32 $0x200;
	[sflag:s31] =	ssyncadd.s32 $0xFFFFFC00  }
0x59: {  	[tilespmem:s24], [sflag:$0x1] =	stream.linear.gather [hbm4b:s7+s2], $0x80, $0x38;
	[tilespmem:$0x3000] =	vst v63  }
0x5a: {  	s25 =	sadd.s32 $0x80, s7;
	s26 =	simm.s32 $0x600  }
0x5b: {  	[tilespmem:s26], [sflag:$0x1] =	stream.linear.gather [hbm4b:s25+s2], $0x80, $0x38;
	[tilespmem:$0x3000] =	vst v63  }
0x5c: {  	s23 =	sadd.s32 $0x100, s7;
	s24 =	simm.s32 $0xA00  }
0x5d: {  	[tilespmem:s24], [sflag:$0x1] =	stream.linear.gather [hbm4b:s23+s2], $0x80, $0x38;
	[tilespmem:$0x3000] =	vst v63  }
0x5e: {  	s25 =	sadd.s32 $0x180, s7;
	s26 =	simm.s32 $0xE00  }
0x5f: {  	[tilespmem:s26], [sflag:$0x1] =	stream.linear.gather [hbm4b:s25+s2], $0x80, $0x38;
	[tilespmem:$0x3000] =	vst v63  }
0x60: {  	s23 =	sadd.s32 $0x200, s7;
	s24 =	simm.s32 $0x1200  }
0x61: {  	[tilespmem:s24], [sflag:$0x1] =	stream.linear.gather [hbm4b:s23+s2], $0x80, $0x38;
	[tilespmem:$0x3000] =	vst v63  }
0x62: {  	s25 =	sadd.s32 $0x280, s7;
	s26 =	simm.s32 $0x1600  }
0x63: {  	[tilespmem:s26], [sflag:$0x1] =	stream.linear.gather [hbm4b:s25+s2], $0x80, $0x38;
	[tilespmem:$0x3000] =	vst v63  }
0x64: {  	s23 =	sadd.s32 $0x300, s7;
	s24 =	simm.s32 $0x1A00  }
0x65: {  	[tilespmem:s24], [sflag:$0x1] =	stream.linear.gather [hbm4b:s23+s2], $0x80, $0x38;
	[tilespmem:$0x3000] =	vst v63  }
0x66: {  	s25 =	sadd.s32 $0x380, s7;
	s26 =	simm.s32 $0x1E00  }
0x67: {  	[tilespmem:s26], [sflag:$0x1] =	stream.linear.gather [hbm4b:s25+s2], $0x80, $0x38;
	[tilespmem:$0x3000] =	vst v63  }
0x68: {  	_ =	swait.ge [sflag:s31], $0x400  }
0x69: {  	[sflag:s31] =	ssyncset.done $0x0  }
0x6a: {  	s1 =	simm.s32 $0x280;
	[sflag:s31] =	ssyncadd.s32 $0xFFFFFC00  }
0x6b: {  	[tilespmem:s1], [sflag:$0x1] =	stream.linear.gather [hbm4b:s8+s2], $0x80, $0x38;
	[tilespmem:$0x3000] =	vst v63  }
0x6c: {  	s23 =	sadd.s32 $0x80, s8;
	s24 =	simm.s32 $0x680  }
0x6d: {  	[tilespmem:s24], [sflag:$0x1] =	stream.linear.gather [hbm4b:s23+s2], $0x80, $0x38;
	[tilespmem:$0x3000] =	vst v63  }
0x6e: {  	s25 =	sadd.s32 $0x100, s8;
	s26 =	simm.s32 $0xA80  }
0x6f: {  	[tilespmem:s26], [sflag:$0x1] =	stream.linear.gather [hbm4b:s25+s2], $0x80, $0x38;
	[tilespmem:$0x3000] =	vst v63  }
0x70: {  	s23 =	sadd.s32 $0x180, s8;
	s24 =	simm.s32 $0xE80  }
0x71: {  	[tilespmem:s24], [sflag:$0x1] =	stream.linear.gather [hbm4b:s23+s2], $0x80, $0x38;
	[tilespmem:$0x3000] =	vst v63  }
0x72: {  	s25 =	sadd.s32 $0x200, s8;
	s26 =	simm.s32 $0x1280  }
0x73: {  	[tilespmem:s26], [sflag:$0x1] =	stream.linear.gather [hbm4b:s25+s2], $0x80, $0x38;
	[tilespmem:$0x3000] =	vst v63  }
0x74: {  	s23 =	sadd.s32 $0x280, s8;
	s24 =	simm.s32 $0x1680  }
0x75: {  	[tilespmem:s24], [sflag:$0x1] =	stream.linear.gather [hbm4b:s23+s2], $0x80, $0x38;
	[tilespmem:$0x3000] =	vst v63  }
0x76: {  	s25 =	sadd.s32 $0x300, s8;
	s26 =	simm.s32 $0x1A80  }
0x77: {  	[tilespmem:s26], [sflag:$0x1] =	stream.linear.gather [hbm4b:s25+s2], $0x80, $0x38;
	[tilespmem:$0x3000] =	vst v63  }
0x78: {  	s1 =	sadd.s32 $0x380, s8;
	s23 =	simm.s32 $0x1E80  }
0x79: {  	[tilespmem:s23], [sflag:$0x1] =	stream.linear.gather [hbm4b:s1+s2], $0x80, $0x38;
	[tilespmem:$0x3000] =	vst v63  }
0x7a: {  	_ =	swait.ge [sflag:s31], $0x400  }
0x7b: {  	[sflag:s31] =	ssyncset.done $0x0  }
0x7c: {  	s24 =	simm.s32 $0x300;
	[sflag:s31] =	ssyncadd.s32 $0xFFFFFC00  }
0x7d: {  	[tilespmem:s24], [sflag:$0x1] =	stream.linear.gather [hbm4b:s9+s2], $0x80, $0x38;
	[tilespmem:$0x3000] =	vst v63  }
0x7e: {  	s25 =	sadd.s32 $0x80, s9;
	s26 =	simm.s32 $0x700  }
0x7f: {  	[tilespmem:s26], [sflag:$0x1] =	stream.linear.gather [hbm4b:s25+s2], $0x80, $0x38;
	[tilespmem:$0x3000] =	vst v63  }
0x80: {  	s23 =	sadd.s32 $0x100, s9;
	s24 =	simm.s32 $0xB00  }
0x81: {  	[tilespmem:s24], [sflag:$0x1] =	stream.linear.gather [hbm4b:s23+s2], $0x80, $0x38;
	[tilespmem:$0x3000] =	vst v63  }
0x82: {  	s25 =	sadd.s32 $0x180, s9;
	s26 =	simm.s32 $0xF00  }
0x83: {  	[tilespmem:s26], [sflag:$0x1] =	stream.linear.gather [hbm4b:s25+s2], $0x80, $0x38;
	[tilespmem:$0x3000] =	vst v63  }
0x84: {  	s23 =	sadd.s32 $0x200, s9;
	s24 =	simm.s32 $0x1300  }
0x85: {  	[tilespmem:s24], [sflag:$0x1] =	stream.linear.gather [hbm4b:s23+s2], $0x80, $0x38;
	[tilespmem:$0x3000] =	vst v63  }
0x86: {  	s25 =	sadd.s32 $0x280, s9;
	s26 =	simm.s32 $0x1700  }
0x87: {  	[tilespmem:s26], [sflag:$0x1] =	stream.linear.gather [hbm4b:s25+s2], $0x80, $0x38;
	[tilespmem:$0x3000] =	vst v63  }
0x88: {  	s23 =	sadd.s32 $0x300, s9;
	s24 =	simm.s32 $0x1B00  }
0x89: {  	[tilespmem:s24], [sflag:$0x1] =	stream.linear.gather [hbm4b:s23+s2], $0x80, $0x38;
	[tilespmem:$0x3000] =	vst v63  }
0x8a: {  	s25 =	sadd.s32 $0x380, s9;
	s26 =	simm.s32 $0x1F00  }
0x8b: {  	[tilespmem:s26], [sflag:$0x1] =	stream.linear.gather [hbm4b:s25+s2], $0x80, $0x38;
	[tilespmem:$0x3000] =	vst v63  }
0x8c: {  	_ =	swait.ge [sflag:s31], $0x400  }
0x8d: {  	[sflag:s31] =	ssyncset.done $0x0  }
0x8e: {  	s1 =	simm.s32 $0x380;
	[sflag:s31] =	ssyncadd.s32 $0xFFFFFC00  }
0x8f: {  	[tilespmem:s1], [sflag:$0x1] =	stream.linear.gather [hbm4b:s10+s2], $0x80, $0x38;
	[tilespmem:$0x3000] =	vst v63  }
0x90: {  	s23 =	sadd.s32 $0x80, s10;
	s24 =	simm.s32 $0x780  }
0x91: {  	[tilespmem:s24], [sflag:$0x1] =	stream.linear.gather [hbm4b:s23+s2], $0x80, $0x38;
	[tilespmem:$0x3000] =	vst v63  }
0x92: {  	s25 =	sadd.s32 $0x100, s10;
	s26 =	simm.s32 $0xB80  }
0x93: {  	[tilespmem:s26], [sflag:$0x1] =	stream.linear.gather [hbm4b:s25+s2], $0x80, $0x38;
	[tilespmem:$0x3000] =	vst v63  }
0x94: {  	s23 =	sadd.s32 $0x180, s10;
	s24 =	simm.s32 $0xF80  }
0x95: {  	[tilespmem:s24], [sflag:$0x1] =	stream.linear.gather [hbm4b:s23+s2], $0x80, $0x38;
	[tilespmem:$0x3000] =	vst v63  }
0x96: {  	s25 =	sadd.s32 $0x200, s10;
	s26 =	simm.s32 $0x1380  }
0x97: {  	[tilespmem:s26], [sflag:$0x1] =	stream.linear.gather [hbm4b:s25+s2], $0x80, $0x38;
	[tilespmem:$0x3000] =	vst v63  }
0x98: {  	s23 =	sadd.s32 $0x280, s10;
	s24 =	simm.s32 $0x1780  }
0x99: {  	[tilespmem:s24], [sflag:$0x1] =	stream.linear.gather [hbm4b:s23+s2], $0x80, $0x38;
	[tilespmem:$0x3000] =	vst v63  }
0x9a: {  	s25 =	sadd.s32 $0x300, s10;
	s26 =	simm.s32 $0x1B80  }
0x9b: {  	[tilespmem:s26], [sflag:$0x1] =	stream.linear.gather [hbm4b:s25+s2], $0x80, $0x38;
	[tilespmem:$0x3000] =	vst v63  }
0x9c: {  	s1 =	sadd.s32 $0x380, s10;
	s23 =	simm.s32 $0x1F80  }
0x9d: {  	[tilespmem:s23], [sflag:$0x1] =	stream.linear.gather [hbm4b:s1+s2], $0x80, $0x38;
	[tilespmem:$0x3000] =	vst v63  }
0x9e: {  	s24 =	simm.s32 $0x0;
	_ =	swait.ge [sflag:s31], $0x400  }
0x9f: {  	s0 =	sand.u32 $0x3FFFFC00, s24;
	s25 =	sand.u32 $0x70, s2;
	[sflag:s31] =	ssyncset.done $0x0  }
0xa0: {  	s0 =	sor.u32 s25, s0;
	[sflag:s31] =	ssyncadd.s32 $0xFFFFFC00  }
0xa1: {  	v10 =	vld [tilespmem:s0+$0x0]  }
0xa2: {  	v8 =	vld [tilespmem:s0+$0x80];
	_ =	sdelay $0x1  }
0xa3: {  	v7 =	vld [tilespmem:s0+$0x100];
	_ =	sdelay $0x1  }
0xa4: {  	v6 =	vld [tilespmem:s0+$0x180]  }
0xa5: {  	vm0 =	vgt.f32 v8, v10  }
0xa6: {  	v5 =	vld [tilespmem:s0+$0x200];
	v1 =	vsel vm0, v8, v10  }
0xa7: {  	vm1 =	vgt.f32 v7, v1  }
0xa8: {  	v4 =	vld [tilespmem:s0+$0x280];
	v1 =	vsel vm1, v7, v1  }
0xa9: {  	vm2 =	vgt.f32 v6, v1  }
0xaa: {  	v2 =	vld [tilespmem:s0+$0x300];
	v3 =	vsel vm2, v6, v1  }
0xab: {  	vm3 =	vgt.f32 v5, v3  }
0xac: {  	v1 =	vld [tilespmem:s0+$0x380];
	v3 =	vsel vm3, v5, v3  }
0xad: {  	v9 =	vsel vm0, $0x1, v0;
	vm0 =	vgt.f32 v4, v3  }
0xae: {  	v9 =	vsel vm1, $0x2, v9;
	v3 =	vsel vm0, v4, v3  }
0xaf: {  	v9 =	vsel vm2, $0x3, v9;
	vm1 =	vgt.f32 v2, v3  }
0xb0: {  	v9 =	vsel vm3, $0x4, v9;
	v3 =	vsel vm1, v2, v3  }
0xb1: {  	v9 =	vsel vm0, $0x5, v9;
	vm0 =	vgt.f32 v1, v3  }
0xb2: {  	v9 =	vsel vm1, $0x6, v9;
	vm0 =	vmneg vm0  }
0xb3: {  	s26 =	simm.s32 $0x0;
	v3 =	vsel vm0, v3, v1;
	v9 =	vnsel vm0, $0x7, v9;
	vm1 =	vmand vm1, vm0  }
0xb4: {  	s0 =	sand.u32 $0xFFFFFF00, s26;
	vm2 =	veq.s32 v9, $0x0;
	v13 =	vsub.f32 v10, v3;
	v15 =	vsub.f32 v6, v3  }
0xb5: {  	s1 =	sor.u32 s25, s0;
	v14 =	vsub.f32 v8, v3;
	v12 =	vsub.f32 v7, v3;
	v11 =	vsel vm2, $0xFF800000, v10  }
0xb6: {  	s30 =	simm.s32 $0x1;
	s24 =	simm.s32 $0x2;
	s0 =	simm.s32 $0x0;
	[tilespmem:s1+$0x2000] =	vst v9;
	vm2 =	veq.s32 v9, $0x4;
	v13 =	vmul.f32 $1.442695020e+00, v13;
	v10 =	vmul.f32 $1.442695020e+00, v15  }
.LBB2_2:
0xb7: {  	s26 =	sshll.u32 s30, $0x7  }
0xb8: {  	vm3 =	veq.s32 v9, $0x1;
	vm4 =	veq.s32 v9, $0x2;
	v14 =	vmul.f32 $1.442695020e+00, v14;
	s0 =	sadd.s32 $0x10, s0;
	s25 =	smov.u32 s24;
	s23 =	sadd.s32 $0x1, s24  }
0xb9: {  	p0 =	sne.s32 s24, $0x3F;
	vm5 =	vgt.f32 v11, $-Inf;
	v15 =	vsub.f32 v5, v3;
	s24 =	sand.u32 $0x70, s0;
	s26 =	sand.u32 $0x3FFFFC00, s26;
	(erf) = vpow2.f32 v13  }
0xba: {  	v12 =	vmul.f32 $1.442695020e+00, v12;
	v8 =	vsel vm3, $0xFF800000, v8;
	s26 =	sor.u32 s24, s26;
	(erf) = vpow2.f32 v14  }
0xbb: {  	v11 =	vnsel vm5, $0xFF800000, v11;
	v7 =	vsel vm4, $0xFF800000, v7;
	vm3 =	veq.s32 v9, $0x3  }
0xbc: {  	vm4 =	vgt.f32 v8, v11;
	v13 =	vmul.f32 $1.442695020e+00, v15;
	(erf) = vpow2.f32 v12  }
0xbd: {  	v6 =	vsel vm3, $0xFF800000, v6;
	v8 =	vsel vm4, v8, v11;
	v11 =	vsub.f32 v4, v3  }
0xbe: {  	v5 =	vsel vm2, $0xFF800000, v5;
	vm3 =	vgt.f32 v7, v8;
	(erf) = vpow2.f32 v10  }
0xbf: {  	v14 =	vsub.f32 v2, v3;
	v11 =	vmul.f32 $1.442695020e+00, v11;
	v10 =	vsel vm4, $0x1, v0  }
0xc0: {  	vm2 =	veq.s32 v9, $0x5;
	v7 =	vsel vm3, v7, v8;
	(erf) = vpow2.f32 v13  }
0xc1: {  	v9 =	vmul.f32 $1.442695020e+00, v14;
	v8 =	vsel vm3, $0x2, v10;
	v13 =	vsub.f32 v1, v3  }
0xc2: {  	v4 =	vsel vm2, $0xFF800000, v4;
	vm3 =	vgt.f32 v6, v7;
	v12 =	vpop (erf);
	(erf) = vpow2.f32 v11  }
0xc3: {  	v6 =	vsel vm3, v6, v7;
	v11 =	vsel vm3, $0x3, v8;
	v8 =	vmul.f32 $1.442695020e+00, v13;
	v10 =	vpop (erf)  }
0xc4: {  	vm2 =	vgt.f32 v5, v6;
	v10 =	vadd.f32 v10, v12;
	(erf) = vpow2.f32 v9  }
0xc5: {  	v5 =	vsel vm2, v5, v6;
	v9 =	vsel vm2, $0x4, v11;
	v7 =	vpop (erf)  }
0xc6: {  	vm2 =	vgt.f32 v4, v5;
	v7 =	vadd.f32 v10, v7;
	(erf) = vpow2.f32 v8  }
0xc7: {  	v2 =	vsel vm1, $0xFF800000, v2;
	v4 =	vsel vm2, v4, v5;
	v8 =	vsel vm2, $0x5, v9;
	v6 =	vpop (erf)  }
0xc8: {  	vm1 =	vgt.f32 v2, v4;
	v6 =	vadd.f32 v7, v6  }
0xc9: {  	v1 =	vnsel vm0, $0xFF800000, v1;
	v2 =	vsel vm1, v2, v4;
	v7 =	vsel vm1, $0x6, v8;
	v5 =	vpop (erf)  }
0xca: {  	vm0 =	vgt.f32 v1, v2;
	v5 =	vadd.f32 v6, v5  }
0xcb: {  	v1 =	vsel vm0, v1, v2;
	v6 =	vsel vm0, $0x7, v7;
	v4 =	vpop (erf)  }
0xcc: {  	v1 =	vsub.f32 v1, v3;
	v4 =	vadd.f32 v5, v4;
	[tilespmem:s1+$0x2080] =	vst v6  }
0xcd: {  	v2 =	vpop (erf)  }
0xce: {  	v1 =	vmul.f32 $1.442695020e+00, v1;
	v2 =	vadd.f32 v4, v2  }
0xcf: {  	v3 =	vpop (erf)  }
0xd0: {  	v2 =	vadd.f32 v2, v3  }
0xd1: {  	(erf) = vpow2.f32 v1  }
0xd2: {  	(erf) = vrcp.f32 v2;
	_ =	sdelay $0x7  }
0xd3: {  	v1 =	vpop (erf)  }
0xd4: {  	v2 =	vpop (erf)  }
0xd5: {  	[tilespmem:s1+$0x2800] =	vst v2;
	v1 =	vmul.f32 v1, v2;
	_ =	sdelay $0x1  }
0xd6: {  	[tilespmem:s1+$0x2880] =	vst v1  }
0xd7: {  	v10 =	vld [tilespmem:s26+$0x0]  }
0xd8: {  	v8 =	vld [tilespmem:s26+$0x80]  }
0xd9: {  	v6 =	vld [tilespmem:s26+$0x180]  }
0xda: {  	v7 =	vld [tilespmem:s26+$0x100];
	_ =	sdelay $0x2  }
0xdb: {  	vm0 =	vgt.f32 v8, v10  }
0xdc: {  	v5 =	vld [tilespmem:s26+$0x200];
	v1 =	vsel vm0, v8, v10;
	v2 =	vsel vm0, $0x1, v0  }
0xdd: {  	vm0 =	vgt.f32 v7, v1  }
0xde: {  	v4 =	vld [tilespmem:s26+$0x280];
	v1 =	vsel vm0, v7, v1;
	v3 =	vsel vm0, $0x2, v2  }
0xdf: {  	vm0 =	vgt.f32 v6, v1  }
0xe0: {  	v2 =	vld [tilespmem:s26+$0x300];
	v9 =	vsel vm0, v6, v1;
	v3 =	vsel vm0, $0x3, v3  }
0xe1: {  	vm0 =	vgt.f32 v5, v9  }
0xe2: {  	v1 =	vld [tilespmem:s26+$0x380];
	v9 =	vsel vm0, v5, v9;
	v3 =	vsel vm0, $0x4, v3  }
0xe3: {  	vm0 =	vgt.f32 v4, v9  }
0xe4: {  	v9 =	vsel vm0, v4, v9  }
0xe5: {  	vm1 =	vgt.f32 v2, v9  }
0xe6: {  	v9 =	vsel vm1, v2, v9  }
0xe7: {  	s1 =	sshll.u32 s30, $0x5;
	s30 =	smov.u32 s25;
	v3 =	vsel vm0, $0x5, v3;
	vm0 =	vgt.f32 v1, v9  }
.Ltmp0:
0xe8: {  	s1 =	sand.u32 $0xFFFFFF00, s1;
	v11 =	vsel vm1, $0x6, v3;
	vm0 =	vmneg vm0;
	(pc) =	sbr.rel @p0 .LBB2_2-.Ltmp0, $4  }
0xe9: {  	s1 =	sor.u32 s24, s1;
	v3 =	vsel vm0, v9, v1;
	v9 =	vnsel vm0, $0x7, v11;
	vm1 =	vmand vm1, vm0  }
0xea: {  	vm2 =	veq.s32 v9, $0x0;
	v13 =	vsub.f32 v10, v3;
	v15 =	vsub.f32 v6, v3;
	[tilespmem:s1+$0x2000] =	vst v9  }
0xeb: {  	v14 =	vsub.f32 v8, v3;
	v12 =	vsub.f32 v7, v3;
	v11 =	vsel vm2, $0xFF800000, v10  }
0xec: {  	s24 =	smov.u32 s23;
	vm2 =	veq.s32 v9, $0x4;
	v13 =	vmul.f32 $1.442695020e+00, v13;
	v10 =	vmul.f32 $1.442695020e+00, v15  }
0xed: {  	v14 =	vmul.f32 $1.442695020e+00, v14  }
0xee: {  	(erf) = vpow2.f32 v13  }
0xef: {  	v12 =	vmul.f32 $1.442695020e+00, v12;
	(erf) = vpow2.f32 v14  }
0xf0: {  	vm3 =	veq.s32 v9, $0x1;
	vm4 =	veq.s32 v9, $0x2;
	vm5 =	vgt.f32 v11, $-Inf  }
0xf1: {  	v25 =	vsub.f32 v5, v3;
	v27 =	vsub.f32 v4, v3;
	(erf) = vpow2.f32 v12  }
0xf2: {  	vm15 =	veq.s32 v9, $0x3;
	v28 =	vsub.f32 v2, v3;
	v8 =	vsel vm3, $0xFF800000, v8  }
0xf3: {  	v11 =	vnsel vm5, $0xFF800000, v11;
	v26 =	vmul.f32 $1.442695020e+00, v25;
	(erf) = vpow2.f32 v10  }
0xf4: {  	v31 =	vsub.f32 v1, v3;
	v7 =	vsel vm4, $0xFF800000, v7;
	vm3 =	vgt.f32 v8, v11  }
0xf5: {  	v29 =	vmul.f32 $1.442695020e+00, v27;
	v8 =	vsel vm3, v8, v11;
	(erf) = vpow2.f32 v26  }
0xf6: {  	v33 =	vsel vm2, $0xFF800000, v5;
	v6 =	vsel vm15, $0xFF800000, v6;
	vm4 =	vgt.f32 v7, v8  }
0xf7: {  	v30 =	vmul.f32 $1.442695020e+00, v28;
	v7 =	vsel vm4, v7, v8;
	v32 =	vpop (erf);
	(erf) = vpow2.f32 v29  }
0xf8: {  	vm8 =	veq.s32 v9, $0x5;
	v35 =	vmul.f32 $1.442695020e+00, v31;
	vm5 =	vgt.f32 v6, v7;
	v34 =	vpop (erf)  }
0xf9: {  	v6 =	vsel vm5, v6, v7;
	(erf) = vpow2.f32 v30;
	v7 =	vadd.f32 v34, v32  }
0xfa: {  	v36 =	vsel vm8, $0xFF800000, v4;
	vm9 =	vgt.f32 v33, v6;
	v37 =	vpop (erf)  }
0xfb: {  	v5 =	vsel vm9, v33, v6;
	(erf) = vpow2.f32 v35;
	v38 =	vadd.f32 v7, v37  }
0xfc: {  	vm6 =	vgt.f32 v36, v5;
	v39 =	vpop (erf)  }
0xfd: {  	v2 =	vsel vm1, $0xFF800000, v2;
	v4 =	vsel vm6, v36, v5;
	v40 =	vadd.f32 v38, v39  }
0xfe: {  	vm1 =	vgt.f32 v2, v4;
	v41 =	vpop (erf)  }
0xff: {  	v1 =	vnsel vm0, $0xFF800000, v1;
	v2 =	vsel vm1, v2, v4;
	v42 =	vadd.f32 v40, v41  }
0x100: {  	vm0 =	vgt.f32 v1, v2;
	v43 =	vpop (erf)  }
0x101: {  	v1 =	vsel vm0, v1, v2;
	v2 =	vadd.f32 v42, v43  }
0x102: {  	v1 =	vsub.f32 v1, v3;
	v3 =	vpop (erf)  }
0x103: {  	v2 =	vadd.f32 v2, v3  }
0x104: {  	v1 =	vmul.f32 $1.442695020e+00, v1;
	v3 =	vpop (erf)  }
0x105: {  	v2 =	vadd.f32 v2, v3  }
0x106: {  	(erf) = vpow2.f32 v1  }
0x107: {  	(erf) = vrcp.f32 v2;
	_ =	sdelay $0x2  }
0x108: {  	v1 =	vsel vm3, $0x1, v0  }
0x109: {  	v1 =	vsel vm4, $0x2, v1  }
0x10a: {  	v1 =	vsel vm5, $0x3, v1  }
0x10b: {  	v1 =	vsel vm9, $0x4, v1  }
0x10c: {  	v1 =	vsel vm6, $0x5, v1  }
0x10d: {  	v1 =	vsel vm1, $0x6, v1;
	v2 =	vpop (erf)  }
0x10e: {  	v1 =	vsel vm0, $0x7, v1;
	v3 =	vpop (erf)  }
0x10f: {  	s23 =	sshll.u32 s30, $0x7;
	s0 =	sadd.s32 $0x10, s0;
	[tilespmem:s1+$0x2080] =	vst v1;
	v1 =	vmul.f32 v2, v3  }
0x110: {  	s0 =	sand.u32 $0x70, s0;
	s23 =	sand.u32 $0x3FFFFC00, s23;
	[tilespmem:s1+$0x2800] =	vst v3  }
0x111: {  	s23 =	sor.u32 s0, s23;
	[tilespmem:s1+$0x2880] =	vst v1  }
0x112: {  	v1 =	vld [tilespmem:s23+$0x0]  }
0x113: {  	v2 =	vld [tilespmem:s23+$0x80];
	_ =	sdelay $0x1  }
0x114: {  	v3 =	vld [tilespmem:s23+$0x100];
	_ =	sdelay $0x1  }
0x115: {  	v44 =	vld [tilespmem:s23+$0x180]  }
0x116: {  	vm10 =	vgt.f32 v2, v1  }
0x117: {  	v45 =	vld [tilespmem:s23+$0x200];
	v46 =	vsel vm10, v2, v1  }
0x118: {  	vm11 =	vgt.f32 v3, v46  }
0x119: {  	v47 =	vld [tilespmem:s23+$0x280];
	v6 =	vsel vm11, v3, v46  }
0x11a: {  	vm12 =	vgt.f32 v44, v6  }
0x11b: {  	v48 =	vld [tilespmem:s23+$0x300];
	v6 =	vsel vm12, v44, v6  }
0x11c: {  	vm13 =	vgt.f32 v45, v6  }
0x11d: {  	v49 =	vld [tilespmem:s23+$0x380];
	v6 =	vsel vm13, v45, v6  }
0x11e: {  	vm14 =	vgt.f32 v47, v6  }
0x11f: {  	v6 =	vsel vm14, v47, v6  }
0x120: {  	vm15 =	vgt.f32 v48, v6  }
0x121: {  	v6 =	vsel vm15, v48, v6  }
0x122: {  	v50 =	vsel vm10, $0x1, v0;
	vm6 =	vgt.f32 v49, v6  }
0x123: {  	v10 =	vsel vm11, $0x2, v50;
	vm0 =	vmneg vm6  }
0x124: {  	v10 =	vsel vm12, $0x3, v10;
	v6 =	vsel vm0, v6, v49  }
0x125: {  	v10 =	vsel vm13, $0x4, v10;
	v51 =	vsub.f32 v1, v6  }
0x126: {  	v10 =	vsel vm14, $0x5, v10;
	v52 =	vsub.f32 v2, v6  }
0x127: {  	v10 =	vsel vm15, $0x6, v10;
	v11 =	vmul.f32 $1.442695020e+00, v51  }
0x128: {  	v10 =	vnsel vm0, $0x7, v10;
	v54 =	vsub.f32 v3, v6;
	v12 =	vmul.f32 $1.442695020e+00, v52  }
0x129: {  	v53 =	vsub.f32 v44, v6;
	vm7 =	veq.s32 v10, $0x0;
	(erf) = vpow2.f32 v11  }
0x12a: {  	vm8 =	veq.s32 v10, $0x1;
	v55 =	vmul.f32 $1.442695020e+00, v54;
	(erf) = vpow2.f32 v12  }
0x12b: {  	vm9 =	veq.s32 v10, $0x2;
	v56 =	vsub.f32 v45, v6;
	v1 =	vsel vm7, $0xFF800000, v1  }
0x12c: {  	v13 =	vmul.f32 $1.442695020e+00, v53;
	vm10 =	vgt.f32 v1, $-Inf;
	(erf) = vpow2.f32 v55  }
0x12d: {  	v58 =	vsub.f32 v47, v6;
	v2 =	vsel vm8, $0xFF800000, v2;
	v1 =	vnsel vm10, $0xFF800000, v1  }
0x12e: {  	v57 =	vmul.f32 $1.442695020e+00, v56;
	vm2 =	vgt.f32 v2, v1;
	(erf) = vpow2.f32 v13  }
0x12f: {  	vm12 =	veq.s32 v10, $0x3;
	v3 =	vsel vm9, $0xFF800000, v3;
	v1 =	vsel vm2, v2, v1  }
0x130: {  	v2 =	vsub.f32 v48, v6;
	vm3 =	vgt.f32 v3, v1;
	(erf) = vpow2.f32 v57  }
0x131: {  	v12 =	vmul.f32 $1.442695020e+00, v58;
	v1 =	vsel vm3, v3, v1;
	v3 =	vsub.f32 v49, v6  }
0x132: {  	v4 =	vsel vm12, $0xFF800000, v44;
	v2 =	vmul.f32 $1.442695020e+00, v2;
	v59 =	vpop (erf)  }
0x133: {  	vm4 =	vgt.f32 v4, v1;
	v3 =	vmul.f32 $1.442695020e+00, v3;
	(erf) = vpow2.f32 v12;
	v60 =	vpop (erf)  }
0x134: {  	vm11 =	veq.s32 v10, $0x4;
	v1 =	vsel vm4, v4, v1;
	v4 =	vadd.f32 v60, v59  }
0x135: {  	v5 =	vsel vm11, $0xFF800000, v45;
	(erf) = vpow2.f32 v2;
	v61 =	vpop (erf)  }
0x136: {  	vm13 =	veq.s32 v10, $0x5;
	vm14 =	vgt.f32 v5, v1;
	v4 =	vadd.f32 v4, v61  }
0x137: {  	v1 =	vsel vm14, v5, v1;
	v2 =	vsel vm13, $0xFF800000, v47;
	(erf) = vpow2.f32 v3;
	v3 =	vpop (erf)  }
0x138: {  	vm1 =	vmand vm15, vm0;
	vm15 =	vgt.f32 v2, v1;
	v3 =	vadd.f32 v4, v3  }
0x139: {  	v1 =	vsel vm15, v2, v1;
	v2 =	vsel vm1, $0xFF800000, v48;
	v62 =	vpop (erf)  }
0x13a: {  	vm1 =	vgt.f32 v2, v1;
	v3 =	vadd.f32 v3, v62  }
0x13b: {  	v1 =	vsel vm1, v2, v1;
	v2 =	vnsel vm0, $0xFF800000, v49  }
0x13c: {  	vm0 =	vgt.f32 v2, v1;
	v63 =	vpop (erf)  }
0x13d: {  	v1 =	vsel vm0, v2, v1;
	v2 =	vadd.f32 v3, v63  }
0x13e: {  	v1 =	vsub.f32 v1, v6;
	v3 =	vpop (erf)  }
0x13f: {  	v2 =	vadd.f32 v2, v3  }
0x140: {  	v1 =	vmul.f32 $1.442695020e+00, v1;
	v3 =	vpop (erf)  }
0x141: {  	v2 =	vadd.f32 v2, v3  }
0x142: {  	(erf) = vpow2.f32 v1  }
0x143: {  	(erf) = vrcp.f32 v2;
	_ =	sdelay $0x2  }
0x144: {  	v1 =	vsel vm2, $0x1, v0  }
0x145: {  	v1 =	vsel vm3, $0x2, v1  }
0x146: {  	v1 =	vsel vm4, $0x3, v1  }
0x147: {  	s24 =	sshll.u32 s30, $0x5;
	v1 =	vsel vm14, $0x4, v1  }
0x148: {  	s1 =	sand.u32 $0xFFFFFF00, s24;
	v1 =	vsel vm15, $0x5, v1  }
0x149: {  	s0 =	sor.u32 s0, s1;
	v1 =	vsel vm1, $0x6, v1;
	v2 =	vpop (erf)  }
0x14a: {  	[tilespmem:s0+$0x2000] =	vst v10;
	v1 =	vsel vm0, $0x7, v1;
	v3 =	vpop (erf)  }
0x14b: {  	[tilespmem:s0+$0x2080] =	vst v1;
	v1 =	vmul.f32 v2, v3  }
0x14c: {  	[tilespmem:s0+$0x2800] =	vst v3  }
0x14d: {  	s25 =	simm.s32 $0x2000;
	[tilespmem:s0+$0x2880] =	vst v1  }
0x14e: {  	[hbm4b:s11+s2] =	stream.linear.scatter [tilespmem:s25], [sflag:$0x1], $0x80, $0x38;
	[tilespmem:$0x3000] =	vst v63  }
0x14f: {  	s26 =	sadd.s32 $0x20, s11;
	s30 =	simm.s32 $0x2100  }
0x150: {  	[hbm4b:s26+s2] =	stream.linear.scatter [tilespmem:s30], [sflag:$0x1], $0x80, $0x38;
	[tilespmem:$0x3000] =	vst v63  }
0x151: {  	s1 =	sadd.s32 $0x40, s11;
	s23 =	simm.s32 $0x2200  }
0x152: {  	[hbm4b:s1+s2] =	stream.linear.scatter [tilespmem:s23], [sflag:$0x1], $0x80, $0x38;
	[tilespmem:$0x3000] =	vst v63  }
0x153: {  	s24 =	sadd.s32 $0x60, s11;
	s25 =	simm.s32 $0x2300  }
0x154: {  	[hbm4b:s24+s2] =	stream.linear.scatter [tilespmem:s25], [sflag:$0x1], $0x80, $0x38;
	[tilespmem:$0x3000] =	vst v63  }
0x155: {  	s26 =	sadd.s32 $0x80, s11;
	s30 =	simm.s32 $0x2400  }
0x156: {  	[hbm4b:s26+s2] =	stream.linear.scatter [tilespmem:s30], [sflag:$0x1], $0x80, $0x38;
	[tilespmem:$0x3000] =	vst v63  }
0x157: {  	s1 =	sadd.s32 $0xA0, s11;
	s23 =	simm.s32 $0x2500  }
0x158: {  	[hbm4b:s1+s2] =	stream.linear.scatter [tilespmem:s23], [sflag:$0x1], $0x80, $0x38;
	[tilespmem:$0x3000] =	vst v63  }
0x159: {  	s24 =	sadd.s32 $0xC0, s11;
	s25 =	simm.s32 $0x2600  }
0x15a: {  	[hbm4b:s24+s2] =	stream.linear.scatter [tilespmem:s25], [sflag:$0x1], $0x80, $0x38;
	[tilespmem:$0x3000] =	vst v63  }
0x15b: {  	s26 =	sadd.s32 $0xE0, s11;
	s30 =	simm.s32 $0x2700  }
0x15c: {  	[hbm4b:s26+s2] =	stream.linear.scatter [tilespmem:s30], [sflag:$0x1], $0x80, $0x38;
	[tilespmem:$0x3000] =	vst v63  }
0x15d: {  	_ =	swait.ge [sflag:s31], $0x400  }
0x15e: {  	[sflag:s31] =	ssyncset.done $0x0  }
0x15f: {  	s23 =	simm.s32 $0x2800;
	[sflag:s31] =	ssyncadd.s32 $0xFFFFFC00  }
0x160: {  	[hbm4b:s12+s2] =	stream.linear.scatter [tilespmem:s23], [sflag:$0x1], $0x80, $0x38;
	[tilespmem:$0x3000] =	vst v63  }
0x161: {  	s24 =	sadd.s32 $0x20, s12;
	s25 =	simm.s32 $0x2900  }
0x162: {  	[hbm4b:s24+s2] =	stream.linear.scatter [tilespmem:s25], [sflag:$0x1], $0x80, $0x38;
	[tilespmem:$0x3000] =	vst v63  }
0x163: {  	s26 =	sadd.s32 $0x40, s12;
	s30 =	simm.s32 $0x2A00  }
0x164: {  	[hbm4b:s26+s2] =	stream.linear.scatter [tilespmem:s30], [sflag:$0x1], $0x80, $0x38;
	[tilespmem:$0x3000] =	vst v63  }
0x165: {  	s1 =	sadd.s32 $0x60, s12;
	s23 =	simm.s32 $0x2B00  }
0x166: {  	[hbm4b:s1+s2] =	stream.linear.scatter [tilespmem:s23], [sflag:$0x1], $0x80, $0x38;
	[tilespmem:$0x3000] =	vst v63  }
0x167: {  	s24 =	sadd.s32 $0x80, s12;
	s25 =	simm.s32 $0x2C00  }
0x168: {  	[hbm4b:s24+s2] =	stream.linear.scatter [tilespmem:s25], [sflag:$0x1], $0x80, $0x38;
	[tilespmem:$0x3000] =	vst v63  }
0x169: {  	s26 =	sadd.s32 $0xA0, s12;
	s30 =	simm.s32 $0x2D00  }
0x16a: {  	[hbm4b:s26+s2] =	stream.linear.scatter [tilespmem:s30], [sflag:$0x1], $0x80, $0x38;
	[tilespmem:$0x3000] =	vst v63  }
0x16b: {  	s23 =	sadd.s32 $0xC0, s12;
	s24 =	simm.s32 $0x2E00  }
0x16c: {  	[hbm4b:s23+s2] =	stream.linear.scatter [tilespmem:s24], [sflag:$0x1], $0x80, $0x38;
	[tilespmem:$0x3000] =	vst v63  }
0x16d: {  	s25 =	sadd.s32 $0xE0, s12;
	s26 =	simm.s32 $0x2F00  }
0x16e: {  	[hbm4b:s25+s2] =	stream.linear.scatter [tilespmem:s26], [sflag:$0x1], $0x80, $0x38;
	[tilespmem:$0x3000] =	vst v63  }
0x16f: {  	_ =	swait.ge [sflag:s31], $0x400  }
0x170: {  	[sflag:s31] =	ssyncset.done $0x0  }
0x171: {  	s30 =	simm.s32 $0x2080;
	[sflag:s31] =	ssyncadd.s32 $0xFFFFFC00  }
0x172: {  	[hbm4b:s13+s2] =	stream.linear.scatter [tilespmem:s30], [sflag:$0x1], $0x80, $0x38;
	[tilespmem:$0x3000] =	vst v63  }
0x173: {  	s1 =	sadd.s32 $0x20, s13;
	s23 =	simm.s32 $0x2180  }
0x174: {  	[hbm4b:s1+s2] =	stream.linear.scatter [tilespmem:s23], [sflag:$0x1], $0x80, $0x38;
	[tilespmem:$0x3000] =	vst v63  }
0x175: {  	s24 =	sadd.s32 $0x40, s13;
	s25 =	simm.s32 $0x2280  }
0x176: {  	[hbm4b:s24+s2] =	stream.linear.scatter [tilespmem:s25], [sflag:$0x1], $0x80, $0x38;
	[tilespmem:$0x3000] =	vst v63  }
0x177: {  	s26 =	sadd.s32 $0x60, s13;
	s30 =	simm.s32 $0x2380  }
0x178: {  	[hbm4b:s26+s2] =	stream.linear.scatter [tilespmem:s30], [sflag:$0x1], $0x80, $0x38;
	[tilespmem:$0x3000] =	vst v63  }
0x179: {  	s1 =	sadd.s32 $0x80, s13;
	s23 =	simm.s32 $0x2480  }
0x17a: {  	[hbm4b:s1+s2] =	stream.linear.scatter [tilespmem:s23], [sflag:$0x1], $0x80, $0x38;
	[tilespmem:$0x3000] =	vst v63  }
0x17b: {  	s24 =	sadd.s32 $0xA0, s13;
	s25 =	simm.s32 $0x2580  }
0x17c: {  	[hbm4b:s24+s2] =	stream.linear.scatter [tilespmem:s25], [sflag:$0x1], $0x80, $0x38;
	[tilespmem:$0x3000] =	vst v63  }
0x17d: {  	s26 =	sadd.s32 $0xC0, s13;
	s30 =	simm.s32 $0x2680  }
0x17e: {  	[hbm4b:s26+s2] =	stream.linear.scatter [tilespmem:s30], [sflag:$0x1], $0x80, $0x38;
	[tilespmem:$0x3000] =	vst v63  }
0x17f: {  	s23 =	sadd.s32 $0xE0, s13;
	s24 =	simm.s32 $0x2780  }
0x180: {  	[hbm4b:s23+s2] =	stream.linear.scatter [tilespmem:s24], [sflag:$0x1], $0x80, $0x38;
	[tilespmem:$0x3000] =	vst v63  }
0x181: {  	_ =	swait.ge [sflag:s31], $0x400  }
0x182: {  	[sflag:s31] =	ssyncset.done $0x0  }
0x183: {  	s25 =	simm.s32 $0x2880;
	[sflag:s31] =	ssyncadd.s32 $0xFFFFFC00  }
0x184: {  	[hbm4b:s14+s2] =	stream.linear.scatter [tilespmem:s25], [sflag:$0x1], $0x80, $0x38;
	[tilespmem:$0x3000] =	vst v63  }
0x185: {  	s26 =	sadd.s32 $0x20, s14;
	s30 =	simm.s32 $0x2980  }
0x186: {  	[hbm4b:s26+s2] =	stream.linear.scatter [tilespmem:s30], [sflag:$0x1], $0x80, $0x38;
	[tilespmem:$0x3000] =	vst v63  }
0x187: {  	s1 =	sadd.s32 $0x40, s14;
	s23 =	simm.s32 $0x2A80  }
0x188: {  	[hbm4b:s1+s2] =	stream.linear.scatter [tilespmem:s23], [sflag:$0x1], $0x80, $0x38;
	[tilespmem:$0x3000] =	vst v63  }
0x189: {  	s24 =	sadd.s32 $0x60, s14;
	s25 =	simm.s32 $0x2B80  }
0x18a: {  	[hbm4b:s24+s2] =	stream.linear.scatter [tilespmem:s25], [sflag:$0x1], $0x80, $0x38;
	[tilespmem:$0x3000] =	vst v63  }
0x18b: {  	s26 =	sadd.s32 $0x80, s14;
	s30 =	simm.s32 $0x2C80  }
0x18c: {  	[hbm4b:s26+s2] =	stream.linear.scatter [tilespmem:s30], [sflag:$0x1], $0x80, $0x38;
	[tilespmem:$0x3000] =	vst v63  }
0x18d: {  	s29 =	sadd.s32 $0x1, s29;
	s23 =	sadd.s32 $0xA0, s14;
	s24 =	simm.s32 $0x2D80  }
0x18e: {  	[hbm4b:s23+s2] =	stream.linear.scatter [tilespmem:s24], [sflag:$0x1], $0x80, $0x38;
	[tilespmem:$0x3000] =	vst v63  }
0x18f: {  	p0 =	sne.s32 s29, s15;
	s25 =	sadd.s32 $0xC0, s14;
	s26 =	simm.s32 $0x2E80  }
0x190: {  	[hbm4b:s25+s2] =	stream.linear.scatter [tilespmem:s26], [sflag:$0x1], $0x80, $0x38;
	[tilespmem:$0x3000] =	vst v63  }
.Ltmp1:
0x191: {  	s30 =	sadd.s32 $0xE0, s14;
	(pc) =	sbr.rel @p0 .LBB2_1-.Ltmp1, $4  }
0x192: {  	[hbm4b:s30+s2] =	stream.linear.scatter [tilespmem:s28], [sflag:$0x1], $0x80, $0x38;
	[tilespmem:$0x3000] =	vst v63  }
0x193: {  	_ =	swait.ge [sflag:s31], $0x400  }
0x194: {  	[sflag:s31] =	ssyncset.done $0x0  }
0x195: {  	[sflag:s31] =	ssyncadd.s32 $0xFFFFFC00  }
0x196: {  	_ =	sfence.sel $0x180000  }
0x197: {  	[bflag:$0x0] =	sbarrier.arrive $0xFFFF  }
0x198: {  	_ =	strace $0x90000047  }
0x199: {  	s0 =	stileid.u32;
	[bflag:$0x2] =	sbarrier.arrive $0xFFFF  }
0x19a: {  	p0 =	sne.s32 s0, $0x0;
	s0 =	rddreg [dreg:$0x3]  }
0x19b: {  	s0 =	sadd.s32 @!p0 $0x100000, s0  }
0x19c: {  	[sflag:s0] =	ssyncadd.tile.s32 @!p0 $0x1;
	_ =	shalt  }
.Lfunc_end2:
_tile_overlayer_lowered:
.L_overlay_start_2:
0x19d: {  	(tag) =	ssettag $0x2  }
0x19e: {  	s0 =	rddreg [dreg:$0x0];
	s2 =	stileid.u32  }
0x19f: {  	s1 =	rddreg [dreg:$0x1];
	p0 =	sne.s32 s2, $0x0  }
0x1a0: {  	s3 =	rddreg [dreg:$0x2];
	[bflag:$0x3] =	sbarrier.arrive $0xFFFF;
	s2 =	simm.s32 @!p0 $0x1C01  }
0x1a1: {  	[timem:s3], [sflag:s2] =	dma.local @!p0 [hbm:s0], s1  }
0x1a2: {  	s0 =	simm.s32 @!p0 $0x1  }
0x1a3: {  	_ =	swait.ge @!p0 [sflag:s0], s1  }
0x1a4: {  	s1 =	ssub.s32 @!p0 $0x0, s1;
	[sflag:s0] =	ssyncset.done @!p0 $0x0  }
0x1a5: {  	[sflag:s0] =	ssyncadd.s32 @!p0 s1  }
0x1a6: {  	[bflag:$0x3] =	sbarrier.arrive $0xFFFF  }
0x1a7: {  	_ =	shalt  }

</sc_bundles>
